<compile_context>
chip_gen: v7x
topology: tpu7x:2x2x1
jax: 0.10.2.dev20260603
libtpu: 0.0.44.dev20260713+nightly
codegen_flags: <defaults>
</compile_context>

<pallas_src>
import functools

import jax
import jax.numpy as jnp
from jax import lax
from jax.experimental import pallas as pl
from jax.experimental.pallas import tpu as pltpu
from jax.experimental.pallas import tpu_sc as plsc

N_NODES = 10000
D_FEAT = 128
HIDDEN = 16
N_CLASSES = 16

NC, NS, L = 2, 16, 16
NW = NC * NS
NP = 10240
RPS = NP // NS
TRASH = N_NODES

E = 320000
EPW = E // NW
GLEN = 1024
NGRP = 10
EPWP = NGRP * GLEN
PADW = EPWP - EPW
NBUF = 5

BLK = 1024
GRID = 10

_mesh = plsc.VectorSubcoreMesh(
    core_axis_name="c", subcore_axis_name="s", num_cores=NC, num_subcores=NS
)
_sc_params = pltpu.CompilerParams(use_tc_tiling_on_sc=False)



@functools.partial(
    pl.kernel,
    out_type=[
        jax.ShapeDtypeStruct((NP,), jnp.float32),
        jax.ShapeDtypeStruct((NP,), jnp.float32),
    ],
    mesh=_mesh,
    scratch_types=[
        pltpu.VMEM((EPWP,), jnp.int32),
        pltpu.VMEM((GLEN,), jnp.float32),
        pltpu.VMEM_SHARED((NP,), jnp.float32),
        pltpu.SemaphoreType.DMA,
    ],
    compiler_params=_sc_params,
)
def _deg_kernel(dst_hbm, zeros_hbm, out0_hbm, out1_hbm, dst_v, ones_v,
                deg_sp, sem):
    c = lax.axis_index("c")
    s = lax.axis_index("s")
    wid = c * NS + s
    sl = pl.ds(s * RPS, RPS)
    pltpu.async_copy(zeros_hbm.at[sl], deg_sp.at[sl], sem)
    pltpu.async_copy(dst_hbm.at[pl.ds(wid * EPWP, EPWP)], dst_v, sem)
    for i in range(GLEN // L):
        ones_v[pl.ds(i * L, L)] = jnp.full((L,), 1.0, jnp.float32)
    pltpu.make_async_copy(zeros_hbm.at[sl], deg_sp.at[sl], sem).wait()
    pltpu.make_async_copy(dst_hbm.at[pl.ds(wid * EPWP, EPWP)], dst_v,
                          sem).wait()
    plsc.subcore_barrier()

    def body(j, carry):
        pltpu.async_copy(ones_v, deg_sp.at[dst_v.at[pl.ds(j * GLEN, GLEN)]],
                         sem, add=True)
        return carry

    lax.fori_loop(0, NGRP, body, 0)

    def drain(j, carry):
        pltpu.make_async_copy(ones_v, deg_sp.at[dst_v.at[pl.ds(0, GLEN)]],
                              sem).wait()
        return carry

    lax.fori_loop(0, NGRP, drain, 0)
    plsc.subcore_barrier()

    @pl.when(c == 0)
    def _():
        pltpu.sync_copy(deg_sp.at[sl], out0_hbm.at[sl])

    @pl.when(c == 1)
    def _():
        pltpu.sync_copy(deg_sp.at[sl], out1_hbm.at[sl])


@functools.partial(
    pl.kernel,
    out_type=jax.ShapeDtypeStruct((NC, NP, HIDDEN), jnp.float32),
    mesh=_mesh,
    scratch_types=[
        pltpu.VMEM((EPWP,), jnp.int32),
        pltpu.VMEM((EPWP,), jnp.int32),
        pltpu.VMEM((NBUF, GLEN, HIDDEN), jnp.float32),
        pltpu.VMEM_SHARED((NP, HIDDEN), jnp.float32),
        pltpu.VMEM_SHARED((N_NODES, HIDDEN), jnp.float32),
        pltpu.SemaphoreType.DMA,
    ],
    compiler_params=_sc_params,
)
def _agg_kernel(src_hbm, dst_hbm, table_hbm, zeros_hbm, out_hbm,
                src_v, dst_v, rows_v, agg_sp, table_sp, gsem):
    c = lax.axis_index("c")
    s = lax.axis_index("s")
    wid = c * NS + s
    sl = pl.ds(s * RPS, RPS)
    tsl = pl.ds(s * (N_NODES // NS), N_NODES // NS)
    pltpu.async_copy(zeros_hbm.at[sl], agg_sp.at[sl], gsem)
    pltpu.async_copy(table_hbm.at[tsl], table_sp.at[tsl], gsem)
    pltpu.async_copy(src_hbm.at[pl.ds(wid * EPWP, EPWP)], src_v, gsem)
    pltpu.async_copy(dst_hbm.at[pl.ds(wid * EPWP, EPWP)], dst_v, gsem)
    pltpu.make_async_copy(zeros_hbm.at[sl], agg_sp.at[sl], gsem).wait()
    pltpu.make_async_copy(table_hbm.at[tsl], table_sp.at[tsl], gsem).wait()
    pltpu.make_async_copy(src_hbm.at[pl.ds(wid * EPWP, EPWP)], src_v,
                          gsem).wait()
    pltpu.make_async_copy(dst_hbm.at[pl.ds(wid * EPWP, EPWP)], dst_v,
                          gsem).wait()
    plsc.subcore_barrier()

    for b in range(NBUF):
        pltpu.async_copy(table_sp.at[src_v.at[pl.ds(b * GLEN, GLEN)]],
                         rows_v.at[b], gsem)

    def body(t, carry):
        b = lax.rem(t, NBUF)
        pltpu.make_async_copy(table_sp.at[src_v.at[pl.ds(0, GLEN)]],
                              rows_v.at[0], gsem).wait()
        pltpu.sync_copy(rows_v.at[b],
                        agg_sp.at[dst_v.at[pl.ds(t * GLEN, GLEN)]], add=True)
        nxt = t + NBUF

        @pl.when(nxt < NGRP)
        def _():
            pltpu.async_copy(table_sp.at[src_v.at[pl.ds(nxt * GLEN, GLEN)]],
                             rows_v.at[b], gsem)

        return carry

    lax.fori_loop(0, NGRP, body, 0)
    plsc.subcore_barrier()
    pltpu.sync_copy(agg_sp.at[sl], out_hbm.at[c, sl])



def _dis_blk(d0_ref, d1_ref, i):
    deg = d0_ref[pl.ds(i * BLK, BLK)] + d1_ref[pl.ds(i * BLK, BLK)] + 1.0
    return lax.rsqrt(deg)[:, None]


def _l1_body(x_ref, w1_ref, d0_ref, d1_ref, ht_ref):
    i = pl.program_id(0)
    h = jnp.dot(x_ref[...], w1_ref[...], preferred_element_type=jnp.float32)
    ht_ref[...] = h * _dis_blk(d0_ref, d1_ref, i)


def _lin1(x, W1, deg0, deg1):
    return pl.pallas_call(
        _l1_body,
        grid=(GRID,),
        in_specs=[
            pl.BlockSpec((BLK, D_FEAT), lambda i: (i, 0)),
            pl.BlockSpec((D_FEAT, HIDDEN), lambda i: (0, 0)),
            pl.BlockSpec((NP,), lambda i: (0,)),
            pl.BlockSpec((NP,), lambda i: (0,)),
        ],
        out_specs=pl.BlockSpec((BLK, HIDDEN), lambda i: (i, 0)),
        out_shape=jax.ShapeDtypeStruct((N_NODES, HIDDEN), jnp.float32),
    )(x, W1, deg0, deg1)


def _l2_body(aggp_ref, ht_ref, d0_ref, d1_ref, w2_ref, b1_ref, ht2_ref):
    i = pl.program_id(0)
    dis = _dis_blk(d0_ref, d1_ref, i)
    agg = aggp_ref[0, :, :] + aggp_ref[1, :, :] + ht_ref[...]
    z = jnp.maximum(agg * dis + b1_ref[...], 0.0)
    h2 = jnp.dot(z, w2_ref[...], preferred_element_type=jnp.float32)
    ht2_ref[...] = h2 * dis


def _lin2(aggp, ht1, deg0, deg1, W2, b1):
    return pl.pallas_call(
        _l2_body,
        grid=(GRID,),
        in_specs=[
            pl.BlockSpec((NC, BLK, HIDDEN), lambda i: (0, i, 0)),
            pl.BlockSpec((BLK, HIDDEN), lambda i: (i, 0)),
            pl.BlockSpec((NP,), lambda i: (0,)),
            pl.BlockSpec((NP,), lambda i: (0,)),
            pl.BlockSpec((HIDDEN, N_CLASSES), lambda i: (0, 0)),
            pl.BlockSpec((1, N_CLASSES), lambda i: (0, 0)),
        ],
        out_specs=pl.BlockSpec((BLK, N_CLASSES), lambda i: (i, 0)),
        out_shape=jax.ShapeDtypeStruct((N_NODES, N_CLASSES), jnp.float32),
    )(aggp, ht1, deg0, deg1, W2, b1)


def _fin_body(aggp_ref, ht2_ref, d0_ref, d1_ref, b2_ref, out_ref):
    i = pl.program_id(0)
    dis = _dis_blk(d0_ref, d1_ref, i)
    agg = aggp_ref[0, :, :] + aggp_ref[1, :, :] + ht2_ref[...]
    o = agg * dis + b2_ref[...]
    m = jnp.max(o, axis=1, keepdims=True)
    lse = jnp.log(jnp.sum(jnp.exp(o - m), axis=1, keepdims=True)) + m
    out_ref[...] = o - lse


def _final(aggp, ht2, deg0, deg1, b2):
    return pl.pallas_call(
        _fin_body,
        grid=(GRID,),
        in_specs=[
            pl.BlockSpec((NC, BLK, N_CLASSES), lambda i: (0, i, 0)),
            pl.BlockSpec((BLK, N_CLASSES), lambda i: (i, 0)),
            pl.BlockSpec((NP,), lambda i: (0,)),
            pl.BlockSpec((NP,), lambda i: (0,)),
            pl.BlockSpec((1, N_CLASSES), lambda i: (0, 0)),
        ],
        out_specs=pl.BlockSpec((BLK, N_CLASSES), lambda i: (i, 0)),
        out_shape=jax.ShapeDtypeStruct((N_NODES, N_CLASSES), jnp.float32),
    )(aggp, ht2, deg0, deg1, b2)



def kernel(x, edge_index, W1, b1, W2, b2):
    src = edge_index[0].reshape(NW, EPW)
    dst = edge_index[1].reshape(NW, EPW)
    src1 = jnp.concatenate(
        [src, jnp.zeros((NW, PADW), jnp.int32)], axis=1
    ).reshape(NW * EPWP)
    dst1 = jnp.concatenate(
        [dst, jnp.full((NW, PADW), TRASH, jnp.int32)], axis=1
    ).reshape(NW * EPWP)
    zeros_vec = jnp.zeros((NP,), jnp.float32)
    zeros_tab = jnp.zeros((NP, HIDDEN), jnp.float32)

    deg0, deg1 = _deg_kernel(dst1, zeros_vec)
    ht1 = _lin1(x, W1, deg0, deg1)
    agg1 = _agg_kernel(src1, dst1, ht1, zeros_tab)
    ht2 = _lin2(agg1, ht1, deg0, deg1, W2, b1.reshape(1, HIDDEN))
    agg2 = _agg_kernel(src1, dst1, ht2, zeros_tab)
    return _final(agg2, ht2, deg0, deg1, b2.reshape(1, N_CLASSES))

# --- scband reference (transcript-rebuilt; emitter-appended) ---
"""Pipeline reference for scband-gcn-38981123179101 (READ-ONLY COPY).

The authoritative reference and input builder live on the scoring server;
editing this copy changes nothing except your own understanding.
"""

import jax, jax.numpy as jnp
import numpy as np

N_NODES = 10000
N_EDGES = 320000
D_FEAT = 128
HIDDEN = 16
N_CLASSES = 16


def setup_inputs(seed: int = 0) -> dict:
    key = jax.random.key(seed)
    k1, k2, k3, k4, k5, k6 = jax.random.split(key, 6)
    x = jax.random.normal(k1, (N_NODES, D_FEAT), dtype=jnp.float32)
    edge_index = jax.random.randint(k2, (2, N_EDGES), 0, N_NODES, dtype=jnp.int32)
    W1 = jax.random.normal(k3, (D_FEAT, HIDDEN), dtype=jnp.float32) * (1.0 / np.sqrt(D_FEAT))
    b1 = jnp.zeros((HIDDEN,), dtype=jnp.float32)
    W2 = jax.random.normal(k4, (HIDDEN, N_CLASSES), dtype=jnp.float32) * (1.0 / np.sqrt(HIDDEN))
    b2 = jnp.zeros((N_CLASSES,), dtype=jnp.float32)
    return {"x": x, "edge_index": edge_index, "W1": W1, "b1": b1, "W2": W2, "b2": b2}


def _gcn_conv(h, src, dst, W, b, n_nodes):
    # Linear transform first (PyG GCNConv order)
    h = h @ W
    # Symmetric normalization with self-loops already appended to src/dst
    deg = jax.ops.segment_sum(jnp.ones_like(src, dtype=h.dtype), dst, num_segments=n_nodes)
    deg_inv_sqrt = jnp.where(deg > 0, jax.lax.rsqrt(deg), 0.0)
    norm = deg_inv_sqrt[src] * deg_inv_sqrt[dst]
    msg = h[src] * norm[:, None]
    out = jax.ops.segment_sum(msg, dst, num_segments=n_nodes)
    return out + b


def reference(x, edge_index, W1, b1, W2, b2):
    n_nodes = x.shape[0]
    loops = jnp.arange(n_nodes, dtype=edge_index.dtype)
    src = jnp.concatenate([edge_index[0], loops])
    dst = jnp.concatenate([edge_index[1], loops])
    h = _gcn_conv(x, src, dst, W1, b1, n_nodes)
    h = jax.nn.relu(h)
    # dropout is identity in eval mode (training=False)
    h = _gcn_conv(h, src, dst, W2, b2, n_nodes)
    return jax.nn.log_softmax(h, axis=1)

if __name__ == "__main__":
    import jax
    _d = setup_inputs()
    print(jax.jit(kernel)(*tuple(_d.values())))

</pallas_src>

<mosaic_0001>
#map = affine_map<(d0, d1) -> (0)>
module attributes {stable_mosaic.version = 14 : i64} {
  func.func @_deg_kernel(%arg0: i32, %arg1: i32, %arg2: memref<327680xi32, #tpu.memory_space<hbm>>, %arg3: memref<10240xf32, #tpu.memory_space<hbm>>, %arg4: memref<10240xf32, #tpu.memory_space<hbm>>, %arg5: memref<10240xf32, #tpu.memory_space<hbm>>, %arg6: memref<10240xi32, #tpu.memory_space<vmem>>, %arg7: memref<1024xf32, #tpu.memory_space<vmem>>, %arg8: memref<10240xf32, #tpu.memory_space<vmem_shared>>, %arg9: memref<!tpu.dma_semaphore, #tpu.memory_space<semaphore_mem>>) attributes {dimension_semantics = [#tpu.dimension_semantics<core_parallel>, #tpu.dimension_semantics<subcore_parallel>], iteration_bounds = array<i64: 2, 16>, scalar_prefetch = 0 : i64, scratch_operands = 4 : i64, tpu.core_type = #tpu.core_type<sc_vector_subcore>, window_params = [{transform_indices = #map}, {transform_indices = #map}, {transform_indices = #map}, {transform_indices = #map}]} {
    %mul3A = arith.constant 16 : i32
    %mul3A_0 = arith.muli %arg0, %mul3A : i32
    %add3A = arith.addi %mul3A_0, %arg1 : i32
    %mul3A_1 = arith.constant 640 : i32
    %mul3A_2 = arith.muli %arg1, %mul3A_1 : i32
    %dma_start3A = tpu.memref_slice %arg8[%mul3A_2] : memref<10240xf32, #tpu.memory_space<vmem_shared>> -> memref<640xf32, #tpu.memory_space<vmem_shared>>
    %dma_start3A_3 = tpu.memref_slice %arg3[%mul3A_2] : memref<10240xf32, #tpu.memory_space<hbm>> -> memref<640xf32, #tpu.memory_space<hbm>>
    tpu.enqueue_dma source(%dma_start3A_3 : memref<640xf32, #tpu.memory_space<hbm>>) target(%dma_start3A : memref<640xf32, #tpu.memory_space<vmem_shared>>) target_semaphore(%arg9 : memref<!tpu.dma_semaphore, #tpu.memory_space<semaphore_mem>>)
    %mul3A_4 = arith.constant 10240 : i32
    %mul3A_5 = arith.muli %add3A, %mul3A_4 : i32
    %dma_start3A_6 = tpu.memref_slice %arg2[%mul3A_5] : memref<327680xi32, #tpu.memory_space<hbm>> -> memref<10240xi32, #tpu.memory_space<hbm>>
    %dma_start3A_7 = tpu.memref_slice %arg2[%mul3A_5] : memref<327680xi32, #tpu.memory_space<hbm>> -> memref<10240xi32, #tpu.memory_space<hbm>>
    tpu.enqueue_dma source(%dma_start3A_7 : memref<10240xi32, #tpu.memory_space<hbm>>) target(%arg6 : memref<10240xi32, #tpu.memory_space<vmem>>) target_semaphore(%arg9 : memref<!tpu.dma_semaphore, #tpu.memory_space<semaphore_mem>>)
    %broadcast_in_dim3A = arith.constant 1.000000e+00 : f32
    %broadcast_in_dim3A_8 = vector.broadcast %broadcast_in_dim3A : f32 to vector<16xf32>
    %swap3A = arith.constant 0 : index
    %swap3A_9 = tpu.vector_load %arg7[%swap3A] {strides = array<i32>} : memref<1024xf32, #tpu.memory_space<vmem>>, vector<16xf32>,
    %swap3A_10 = vector.shape_cast %swap3A_9 : vector<16xf32> to vector<16xf32>
    %swap3A_11 = vector.shape_cast %broadcast_in_dim3A_8 : vector<16xf32> to vector<16xf32>
    tpu.vector_store %arg7[%swap3A], %swap3A_11 {strides = array<i32>} : memref<1024xf32, #tpu.memory_space<vmem>>, vector<16xf32>,
    %broadcast_in_dim3A_12 = arith.constant 1.000000e+00 : f32
    %broadcast_in_dim3A_13 = vector.broadcast %broadcast_in_dim3A_12 : f32 to vector<16xf32>
    %swap3A_14 = arith.constant 16 : index
    %swap3A_15 = tpu.vector_load %arg7[%swap3A_14] {strides = array<i32>} : memref<1024xf32, #tpu.memory_space<vmem>>, vector<16xf32>,
    %swap3A_16 = vector.shape_cast %swap3A_15 : vector<16xf32> to vector<16xf32>
    %swap3A_17 = vector.shape_cast %broadcast_in_dim3A_13 : vector<16xf32> to vector<16xf32>
    tpu.vector_store %arg7[%swap3A_14], %swap3A_17 {strides = array<i32>} : memref<1024xf32, #tpu.memory_space<vmem>>, vector<16xf32>,
    %broadcast_in_dim3A_18 = arith.constant 1.000000e+00 : f32
    %broadcast_in_dim3A_19 = vector.broadcast %broadcast_in_dim3A_18 : f32 to vector<16xf32>
    %swap3A_20 = arith.constant 32 : index
    %swap3A_21 = tpu.vector_load %arg7[%swap3A_20] {strides = array<i32>} : memref<1024xf32, #tpu.memory_space<vmem>>, vector<16xf32>,
    %swap3A_22 = vector.shape_cast %swap3A_21 : vector<16xf32> to vector<16xf32>
    %swap3A_23 = vector.shape_cast %broadcast_in_dim3A_19 : vector<16xf32> to vector<16xf32>
    tpu.vector_store %arg7[%swap3A_20], %swap3A_23 {strides = array<i32>} : memref<1024xf32, #tpu.memory_space<vmem>>, vector<16xf32>,
    %broadcast_in_dim3A_24 = arith.constant 1.000000e+00 : f32
    %broadcast_in_dim3A_25 = vector.broadcast %broadcast_in_dim3A_24 : f32 to vector<16xf32>
    %swap3A_26 = arith.constant 48 : index
    %swap3A_27 = tpu.vector_load %arg7[%swap3A_26] {strides = array<i32>} : memref<1024xf32, #tpu.memory_space<vmem>>, vector<16xf32>,
    %swap3A_28 = vector.shape_cast %swap3A_27 : vector<16xf32> to vector<16xf32>
    %swap3A_29 = vector.shape_cast %broadcast_in_dim3A_25 : vector<16xf32> to vector<16xf32>
    tpu.vector_store %arg7[%swap3A_26], %swap3A_29 {strides = array<i32>} : memref<1024xf32, #tpu.memory_space<vmem>>, vector<16xf32>,
    %broadcast_in_dim3A_30 = arith.constant 1.000000e+00 : f32
    %broadcast_in_dim3A_31 = vector.broadcast %broadcast_in_dim3A_30 : f32 to vector<16xf32>
    %swap3A_32 = arith.constant 64 : index
    %swap3A_33 = tpu.vector_load %arg7[%swap3A_32] {strides = array<i32>} : memref<1024xf32, #tpu.memory_space<vmem>>, vector<16xf32>,
    %swap3A_34 = vector.shape_cast %swap3A_33 : vector<16xf32> to vector<16xf32>
    %swap3A_35 = vector.shape_cast %broadcast_in_dim3A_31 : vector<16xf32> to vector<16xf32>
    tpu.vector_store %arg7[%swap3A_32], %swap3A_35 {strides = array<i32>} : memref<1024xf32, #tpu.memory_space<vmem>>, vector<16xf32>,
    %broadcast_in_dim3A_36 = arith.constant 1.000000e+00 : f32
    %broadcast_in_dim3A_37 = vector.broadcast %broadcast_in_dim3A_36 : f32 to vector<16xf32>
    %swap3A_38 = arith.constant 80 : index
    %swap3A_39 = tpu.vector_load %arg7[%swap3A_38] {strides = array<i32>} : memref<1024xf32, #tpu.memory_space<vmem>>, vector<16xf32>,
    %swap3A_40 = vector.shape_cast %swap3A_39 : vector<16xf32> to vector<16xf32>
    %swap3A_41 = vector.shape_cast %broadcast_in_dim3A_37 : vector<16xf32> to vector<16xf32>
    tpu.vector_store %arg7[%swap3A_38], %swap3A_41 {strides = array<i32>} : memref<1024xf32, #tpu.memory_space<vmem>>, vector<16xf32>,
    %broadcast_in_dim3A_42 = arith.constant 1.000000e+00 : f32
    %broadcast_in_dim3A_43 = vector.broadcast %broadcast_in_dim3A_42 : f32 to vector<16xf32>
    %swap3A_44 = arith.constant 96 : index
    %swap3A_45 = tpu.vector_load %arg7[%swap3A_44] {strides = array<i32>} : memref<1024xf32, #tpu.memory_space<vmem>>, vector<16xf32>,
    %swap3A_46 = vector.shape_cast %swap3A_45 : vector<16xf32> to vector<16xf32>
    %swap3A_47 = vector.shape_cast %broadcast_in_dim3A_43 : vector<16xf32> to vector<16xf32>
    tpu.vector_store %arg7[%swap3A_44], %swap3A_47 {strides = array<i32>} : memref<1024xf32, #tpu.memory_space<vmem>>, vector<16xf32>,
    %broadcast_in_dim3A_48 = arith.constant 1.000000e+00 : f32
    %broadcast_in_dim3A_49 = vector.broadcast %broadcast_in_dim3A_48 : f32 to vector<16xf32>
    %swap3A_50 = arith.constant 112 : index
    %swap3A_51 = tpu.vector_load %arg7[%swap3A_50] {strides = array<i32>} : memref<1024xf32, #tpu.memory_space<vmem>>, vector<16xf32>,
    %swap3A_52 = vector.shape_cast %swap3A_51 : vector<16xf32> to vector<16xf32>
    %swap3A_53 = vector.shape_cast %broadcast_in_dim3A_49 : vector<16xf32> to vector<16xf32>
    tpu.vector_store %arg7[%swap3A_50], %swap3A_53 {strides = array<i32>} : memref<1024xf32, #tpu.memory_space<vmem>>, vector<16xf32>,
    %broadcast_in_dim3A_54 = arith.constant 1.000000e+00 : f32
    %broadcast_in_dim3A_55 = vector.broadcast %broadcast_in_dim3A_54 : f32 to vector<16xf32>
    %swap3A_56 = arith.constant 128 : index
    %swap3A_57 = tpu.vector_load %arg7[%swap3A_56] {strides = array<i32>} : memref<1024xf32, #tpu.memory_space<vmem>>, vector<16xf32>,
    %swap3A_58 = vector.shape_cast %swap3A_57 : vector<16xf32> to vector<16xf32>
    %swap3A_59 = vector.shape_cast %broadcast_in_dim3A_55 : vector<16xf32> to vector<16xf32>
    tpu.vector_store %arg7[%swap3A_56], %swap3A_59 {strides = array<i32>} : memref<1024xf32, #tpu.memory_space<vmem>>, vector<16xf32>,
    %broadcast_in_dim3A_60 = arith.constant 1.000000e+00 : f32
    %broadcast_in_dim3A_61 = vector.broadcast %broadcast_in_dim3A_60 : f32 to vector<16xf32>
    %swap3A_62 = arith.constant 144 : index
    %swap3A_63 = tpu.vector_load %arg7[%swap3A_62] {strides = array<i32>} : memref<1024xf32, #tpu.memory_space<vmem>>, vector<16xf32>,
    %swap3A_64 = vector.shape_cast %swap3A_63 : vector<16xf32> to vector<16xf32>
    %swap3A_65 = vector.shape_cast %broadcast_in_dim3A_61 : vector<16xf32> to vector<16xf32>
    tpu.vector_store %arg7[%swap3A_62], %swap3A_65 {strides = array<i32>} : memref<1024xf32, #tpu.memory_space<vmem>>, vector<16xf32>,
    %broadcast_in_dim3A_66 = arith.constant 1.000000e+00 : f32
    %broadcast_in_dim3A_67 = vector.broadcast %broadcast_in_dim3A_66 : f32 to vector<16xf32>
    %swap3A_68 = arith.constant 160 : index
    %swap3A_69 = tpu.vector_load %arg7[%swap3A_68] {strides = array<i32>} : memref<1024xf32, #tpu.memory_space<vmem>>, vector<16xf32>,
    %swap3A_70 = vector.shape_cast %swap3A_69 : vector<16xf32> to vector<16xf32>
    %swap3A_71 = vector.shape_cast %broadcast_in_dim3A_67 : vector<16xf32> to vector<16xf32>
    tpu.vector_store %arg7[%swap3A_68], %swap3A_71 {strides = array<i32>} : memref<1024xf32, #tpu.memory_space<vmem>>, vector<16xf32>,
    %broadcast_in_dim3A_72 = arith.constant 1.000000e+00 : f32
    %broadcast_in_dim3A_73 = vector.broadcast %broadcast_in_dim3A_72 : f32 to vector<16xf32>
    %swap3A_74 = arith.constant 176 : index
    %swap3A_75 = tpu.vector_load %arg7[%swap3A_74] {strides = array<i32>} : memref<1024xf32, #tpu.memory_space<vmem>>, vector<16xf32>,
    %swap3A_76 = vector.shape_cast %swap3A_75 : vector<16xf32> to vector<16xf32>
    %swap3A_77 = vector.shape_cast %broadcast_in_dim3A_73 : vector<16xf32> to vector<16xf32>
    tpu.vector_store %arg7[%swap3A_74], %swap3A_77 {strides = array<i32>} : memref<1024xf32, #tpu.memory_space<vmem>>, vector<16xf32>,
    %broadcast_in_dim3A_78 = arith.constant 1.000000e+00 : f32
    %broadcast_in_dim3A_79 = vector.broadcast %broadcast_in_dim3A_78 : f32 to vector<16xf32>
    %swap3A_80 = arith.constant 192 : index
    %swap3A_81 = tpu.vector_load %arg7[%swap3A_80] {strides = array<i32>} : memref<1024xf32, #tpu.memory_space<vmem>>, vector<16xf32>,
    %swap3A_82 = vector.shape_cast %swap3A_81 : vector<16xf32> to vector<16xf32>
    %swap3A_83 = vector.shape_cast %broadcast_in_dim3A_79 : vector<16xf32> to vector<16xf32>
    tpu.vector_store %arg7[%swap3A_80], %swap3A_83 {strides = array<i32>} : memref<1024xf32, #tpu.memory_space<vmem>>, vector<16xf32>,
    %broadcast_in_dim3A_84 = arith.constant 1.000000e+00 : f32
    %broadcast_in_dim3A_85 = vector.broadcast %broadcast_in_dim3A_84 : f32 to vector<16xf32>
    %swap3A_86 = arith.constant 208 : index
    %swap3A_87 = tpu.vector_load %arg7[%swap3A_86] {strides = array<i32>} : memref<1024xf32, #tpu.memory_space<vmem>>, vector<16xf32>,
    %swap3A_88 = vector.shape_cast %swap3A_87 : vector<16xf32> to vector<16xf32>
    %swap3A_89 = vector.shape_cast %broadcast_in_dim3A_85 : vector<16xf32> to vector<16xf32>
    tpu.vector_store %arg7[%swap3A_86], %swap3A_89 {strides = array<i32>} : memref<1024xf32, #tpu.memory_space<vmem>>, vector<16xf32>,
    %broadcast_in_dim3A_90 = arith.constant 1.000000e+00 : f32
    %broadcast_in_dim3A_91 = vector.broadcast %broadcast_in_dim3A_90 : f32 to vector<16xf32>
    %swap3A_92 = arith.constant 224 : index
    %swap3A_93 = tpu.vector_load %arg7[%swap3A_92] {strides = array<i32>} : memref<1024xf32, #tpu.memory_space<vmem>>, vector<16xf32>,
    %swap3A_94 = vector.shape_cast %swap3A_93 : vector<16xf32> to vector<16xf32>
    %swap3A_95 = vector.shape_cast %broadcast_in_dim3A_91 : vector<16xf32> to vector<16xf32>
    tpu.vector_store %arg7[%swap3A_92], %swap3A_95 {strides = array<i32>} : memref<1024xf32, #tpu.memory_space<vmem>>, vector<16xf32>,
    %broadcast_in_dim3A_96 = arith.constant 1.000000e+00 : f32
    %broadcast_in_dim3A_97 = vector.broadcast %broadcast_in_dim3A_96 : f32 to vector<16xf32>
    %swap3A_98 = arith.constant 240 : index
    %swap3A_99 = tpu.vector_load %arg7[%swap3A_98] {strides = array<i32>} : memref<1024xf32, #tpu.memory_space<vmem>>, vector<16xf32>,
    %swap3A_100 = vector.shape_cast %swap3A_99 : vector<16xf32> to vector<16xf32>
    %swap3A_101 = vector.shape_cast %broadcast_in_dim3A_97 : vector<16xf32> to vector<16xf32>
    tpu.vector_store %arg7[%swap3A_98], %swap3A_101 {strides = array<i32>} : memref<1024xf32, #tpu.memory_space<vmem>>, vector<16xf32>,
    %broadcast_in_dim3A_102 = arith.constant 1.000000e+00 : f32
    %broadcast_in_dim3A_103 = vector.broadcast %broadcast_in_dim3A_102 : f32 to vector<16xf32>
    %swap3A_104 = arith.constant 256 : index
    %swap3A_105 = tpu.vector_load %arg7[%swap3A_104] {strides = array<i32>} : memref<1024xf32, #tpu.memory_space<vmem>>, vector<16xf32>,
    %swap3A_106 = vector.shape_cast %swap3A_105 : vector<16xf32> to vector<16xf32>
    %swap3A_107 = vector.shape_cast %broadcast_in_dim3A_103 : vector<16xf32> to vector<16xf32>
    tpu.vector_store %arg7[%swap3A_104], %swap3A_107 {strides = array<i32>} : memref<1024xf32, #tpu.memory_space<vmem>>, vector<16xf32>,
    %broadcast_in_dim3A_108 = arith.constant 1.000000e+00 : f32
    %broadcast_in_dim3A_109 = vector.broadcast %broadcast_in_dim3A_108 : f32 to vector<16xf32>
    %swap3A_110 = arith.constant 272 : index
    %swap3A_111 = tpu.vector_load %arg7[%swap3A_110] {strides = array<i32>} : memref<1024xf32, #tpu.memory_space<vmem>>, vector<16xf32>,
    %swap3A_112 = vector.shape_cast %swap3A_111 : vector<16xf32> to vector<16xf32>
    %swap3A_113 = vector.shape_cast %broadcast_in_dim3A_109 : vector<16xf32> to vector<16xf32>
    tpu.vector_store %arg7[%swap3A_110], %swap3A_113 {strides = array<i32>} : memref<1024xf32, #tpu.memory_space<vmem>>, vector<16xf32>,
    %broadcast_in_dim3A_114 = arith.constant 1.000000e+00 : f32
    %broadcast_in_dim3A_115 = vector.broadcast %broadcast_in_dim3A_114 : f32 to vector<16xf32>
    %swap3A_116 = arith.constant 288 : index
    %swap3A_117 = tpu.vector_load %arg7[%swap3A_116] {strides = array<i32>} : memref<1024xf32, #tpu.memory_space<vmem>>, vector<16xf32>,
    %swap3A_118 = vector.shape_cast %swap3A_117 : vector<16xf32> to vector<16xf32>
    %swap3A_119 = vector.shape_cast %broadcast_in_dim3A_115 : vector<16xf32> to vector<16xf32>
    tpu.vector_store %arg7[%swap3A_116], %swap3A_119 {strides = array<i32>} : memref<1024xf32, #tpu.memory_space<vmem>>, vector<16xf32>,
    %broadcast_in_dim3A_120 = arith.constant 1.000000e+00 : f32
    %broadcast_in_dim3A_121 = vector.broadcast %broadcast_in_dim3A_120 : f32 to vector<16xf32>
    %swap3A_122 = arith.constant 304 : index
    %swap3A_123 = tpu.vector_load %arg7[%swap3A_122] {strides = array<i32>} : memref<1024xf32, #tpu.memory_space<vmem>>, vector<16xf32>,
    %swap3A_124 = vector.shape_cast %swap3A_123 : vector<16xf32> to vector<16xf32>
    %swap3A_125 = vector.shape_cast %broadcast_in_dim3A_121 : vector<16xf32> to vector<16xf32>
    tpu.vector_store %arg7[%swap3A_122], %swap3A_125 {strides = array<i32>} : memref<1024xf32, #tpu.memory_space<vmem>>, vector<16xf32>,
    %broadcast_in_dim3A_126 = arith.constant 1.000000e+00 : f32
    %broadcast_in_dim3A_127 = vector.broadcast %broadcast_in_dim3A_126 : f32 to vector<16xf32>
    %swap3A_128 = arith.constant 320 : index
    %swap3A_129 = tpu.vector_load %arg7[%swap3A_128] {strides = array<i32>} : memref<1024xf32, #tpu.memory_space<vmem>>, vector<16xf32>,
    %swap3A_130 = vector.shape_cast %swap3A_129 : vector<16xf32> to vector<16xf32>
    %swap3A_131 = vector.shape_cast %broadcast_in_dim3A_127 : vector<16xf32> to vector<16xf32>
    tpu.vector_store %arg7[%swap3A_128], %swap3A_131 {strides = array<i32>} : memref<1024xf32, #tpu.memory_space<vmem>>, vector<16xf32>,
    %broadcast_in_dim3A_132 = arith.constant 1.000000e+00 : f32
    %broadcast_in_dim3A_133 = vector.broadcast %broadcast_in_dim3A_132 : f32 to vector<16xf32>
    %swap3A_134 = arith.constant 336 : index
    %swap3A_135 = tpu.vector_load %arg7[%swap3A_134] {strides = array<i32>} : memref<1024xf32, #tpu.memory_space<vmem>>, vector<16xf32>,
    %swap3A_136 = vector.shape_cast %swap3A_135 : vector<16xf32> to vector<16xf32>
    %swap3A_137 = vector.shape_cast %broadcast_in_dim3A_133 : vector<16xf32> to vector<16xf32>
    tpu.vector_store %arg7[%swap3A_134], %swap3A_137 {strides = array<i32>} : memref<1024xf32, #tpu.memory_space<vmem>>, vector<16xf32>,
    %broadcast_in_dim3A_138 = arith.constant 1.000000e+00 : f32
    %broadcast_in_dim3A_139 = vector.broadcast %broadcast_in_dim3A_138 : f32 to vector<16xf32>
    %swap3A_140 = arith.constant 352 : index
    %swap3A_141 = tpu.vector_load %arg7[%swap3A_140] {strides = array<i32>} : memref<1024xf32, #tpu.memory_space<vmem>>, vector<16xf32>,
    %swap3A_142 = vector.shape_cast %swap3A_141 : vector<16xf32> to vector<16xf32>
    %swap3A_143 = vector.shape_cast %broadcast_in_dim3A_139 : vector<16xf32> to vector<16xf32>
    tpu.vector_store %arg7[%swap3A_140], %swap3A_143 {strides = array<i32>} : memref<1024xf32, #tpu.memory_space<vmem>>, vector<16xf32>,
    %broadcast_in_dim3A_144 = arith.constant 1.000000e+00 : f32
    %broadcast_in_dim3A_145 = vector.broadcast %broadcast_in_dim3A_144 : f32 to vector<16xf32>
    %swap3A_146 = arith.constant 368 : index
    %swap3A_147 = tpu.vector_load %arg7[%swap3A_146] {strides = array<i32>} : memref<1024xf32, #tpu.memory_space<vmem>>, vector<16xf32>,
    %swap3A_148 = vector.shape_cast %swap3A_147 : vector<16xf32> to vector<16xf32>
    %swap3A_149 = vector.shape_cast %broadcast_in_dim3A_145 : vector<16xf32> to vector<16xf32>
    tpu.vector_store %arg7[%swap3A_146], %swap3A_149 {strides = array<i32>} : memref<1024xf32, #tpu.memory_space<vmem>>, vector<16xf32>,
    %broadcast_in_dim3A_150 = arith.constant 1.000000e+00 : f32
    %broadcast_in_dim3A_151 = vector.broadcast %broadcast_in_dim3A_150 : f32 to vector<16xf32>
    %swap3A_152 = arith.constant 384 : index
    %swap3A_153 = tpu.vector_load %arg7[%swap3A_152] {strides = array<i32>} : memref<1024xf32, #tpu.memory_space<vmem>>, vector<16xf32>,
    %swap3A_154 = vector.shape_cast %swap3A_153 : vector<16xf32> to vector<16xf32>
    %swap3A_155 = vector.shape_cast %broadcast_in_dim3A_151 : vector<16xf32> to vector<16xf32>
    tpu.vector_store %arg7[%swap3A_152], %swap3A_155 {strides = array<i32>} : memref<1024xf32, #tpu.memory_space<vmem>>, vector<16xf32>,
    %broadcast_in_dim3A_156 = arith.constant 1.000000e+00 : f32
    %broadcast_in_dim3A_157 = vector.broadcast %broadcast_in_dim3A_156 : f32 to vector<16xf32>
    %swap3A_158 = arith.constant 400 : index
    %swap3A_159 = tpu.vector_load %arg7[%swap3A_158] {strides = array<i32>} : memref<1024xf32, #tpu.memory_space<vmem>>, vector<16xf32>,
    %swap3A_160 = vector.shape_cast %swap3A_159 : vector<16xf32> to vector<16xf32>
    %swap3A_161 = vector.shape_cast %broadcast_in_dim3A_157 : vector<16xf32> to vector<16xf32>
    tpu.vector_store %arg7[%swap3A_158], %swap3A_161 {strides = array<i32>} : memref<1024xf32, #tpu.memory_space<vmem>>, vector<16xf32>,
    %broadcast_in_dim3A_162 = arith.constant 1.000000e+00 : f32
    %broadcast_in_dim3A_163 = vector.broadcast %broadcast_in_dim3A_162 : f32 to vector<16xf32>
    %swap3A_164 = arith.constant 416 : index
    %swap3A_165 = tpu.vector_load %arg7[%swap3A_164] {strides = array<i32>} : memref<1024xf32, #tpu.memory_space<vmem>>, vector<16xf32>,
    %swap3A_166 = vector.shape_cast %swap3A_165 : vector<16xf32> to vector<16xf32>
    %swap3A_167 = vector.shape_cast %broadcast_in_dim3A_163 : vector<16xf32> to vector<16xf32>
    tpu.vector_store %arg7[%swap3A_164], %swap3A_167 {strides = array<i32>} : memref<1024xf32, #tpu.memory_space<vmem>>, vector<16xf32>,
    %broadcast_in_dim3A_168 = arith.constant 1.000000e+00 : f32
    %broadcast_in_dim3A_169 = vector.broadcast %broadcast_in_dim3A_168 : f32 to vector<16xf32>
    %swap3A_170 = arith.constant 432 : index
    %swap3A_171 = tpu.vector_load %arg7[%swap3A_170] {strides = array<i32>} : memref<1024xf32, #tpu.memory_space<vmem>>, vector<16xf32>,
    %swap3A_172 = vector.shape_cast %swap3A_171 : vector<16xf32> to vector<16xf32>
    %swap3A_173 = vector.shape_cast %broadcast_in_dim3A_169 : vector<16xf32> to vector<16xf32>
    tpu.vector_store %arg7[%swap3A_170], %swap3A_173 {strides = array<i32>} : memref<1024xf32, #tpu.memory_space<vmem>>, vector<16xf32>,
    %broadcast_in_dim3A_174 = arith.constant 1.000000e+00 : f32
    %broadcast_in_dim3A_175 = vector.broadcast %broadcast_in_dim3A_174 : f32 to vector<16xf32>
    %swap3A_176 = arith.constant 448 : index
    %swap3A_177 = tpu.vector_load %arg7[%swap3A_176] {strides = array<i32>} : memref<1024xf32, #tpu.memory_space<vmem>>, vector<16xf32>,
    %swap3A_178 = vector.shape_cast %swap3A_177 : vector<16xf32> to vector<16xf32>
    %swap3A_179 = vector.shape_cast %broadcast_in_dim3A_175 : vector<16xf32> to vector<16xf32>
    tpu.vector_store %arg7[%swap3A_176], %swap3A_179 {strides = array<i32>} : memref<1024xf32, #tpu.memory_space<vmem>>, vector<16xf32>,
    %broadcast_in_dim3A_180 = arith.constant 1.000000e+00 : f32
    %broadcast_in_dim3A_181 = vector.broadcast %broadcast_in_dim3A_180 : f32 to vector<16xf32>
    %swap3A_182 = arith.constant 464 : index
    %swap3A_183 = tpu.vector_load %arg7[%swap3A_182] {strides = array<i32>} : memref<1024xf32, #tpu.memory_space<vmem>>, vector<16xf32>,
    %swap3A_184 = vector.shape_cast %swap3A_183 : vector<16xf32> to vector<16xf32>
    %swap3A_185 = vector.shape_cast %broadcast_in_dim3A_181 : vector<16xf32> to vector<16xf32>
    tpu.vector_store %arg7[%swap3A_182], %swap3A_185 {strides = array<i32>} : memref<1024xf32, #tpu.memory_space<vmem>>, vector<16xf32>,
    %broadcast_in_dim3A_186 = arith.constant 1.000000e+00 : f32
    %broadcast_in_dim3A_187 = vector.broadcast %broadcast_in_dim3A_186 : f32 to vector<16xf32>
    %swap3A_188 = arith.constant 480 : index
    %swap3A_189 = tpu.vector_load %arg7[%swap3A_188] {strides = array<i32>} : memref<1024xf32, #tpu.memory_space<vmem>>, vector<16xf32>,
    %swap3A_190 = vector.shape_cast %swap3A_189 : vector<16xf32> to vector<16xf32>
    %swap3A_191 = vector.shape_cast %broadcast_in_dim3A_187 : vector<16xf32> to vector<16xf32>
    tpu.vector_store %arg7[%swap3A_188], %swap3A_191 {strides = array<i32>} : memref<1024xf32, #tpu.memory_space<vmem>>, vector<16xf32>,
    %broadcast_in_dim3A_192 = arith.constant 1.000000e+00 : f32
    %broadcast_in_dim3A_193 = vector.broadcast %broadcast_in_dim3A_192 : f32 to vector<16xf32>
    %swap3A_194 = arith.constant 496 : index
    %swap3A_195 = tpu.vector_load %arg7[%swap3A_194] {strides = array<i32>} : memref<1024xf32, #tpu.memory_space<vmem>>, vector<16xf32>,
    %swap3A_196 = vector.shape_cast %swap3A_195 : vector<16xf32> to vector<16xf32>
    %swap3A_197 = vector.shape_cast %broadcast_in_dim3A_193 : vector<16xf32> to vector<16xf32>
    tpu.vector_store %arg7[%swap3A_194], %swap3A_197 {strides = array<i32>} : memref<1024xf32, #tpu.memory_space<vmem>>, vector<16xf32>,
    %broadcast_in_dim3A_198 = arith.constant 1.000000e+00 : f32
    %broadcast_in_dim3A_199 = vector.broadcast %broadcast_in_dim3A_198 : f32 to vector<16xf32>
    %swap3A_200 = arith.constant 512 : index
    %swap3A_201 = tpu.vector_load %arg7[%swap3A_200] {strides = array<i32>} : memref<1024xf32, #tpu.memory_space<vmem>>, vector<16xf32>,
    %swap3A_202 = vector.shape_cast %swap3A_201 : vector<16xf32> to vector<16xf32>
    %swap3A_203 = vector.shape_cast %broadcast_in_dim3A_199 : vector<16xf32> to vector<16xf32>
    tpu.vector_store %arg7[%swap3A_200], %swap3A_203 {strides = array<i32>} : memref<1024xf32, #tpu.memory_space<vmem>>, vector<16xf32>,
    %broadcast_in_dim3A_204 = arith.constant 1.000000e+00 : f32
    %broadcast_in_dim3A_205 = vector.broadcast %broadcast_in_dim3A_204 : f32 to vector<16xf32>
    %swap3A_206 = arith.constant 528 : index
    %swap3A_207 = tpu.vector_load %arg7[%swap3A_206] {strides = array<i32>} : memref<1024xf32, #tpu.memory_space<vmem>>, vector<16xf32>,
    %swap3A_208 = vector.shape_cast %swap3A_207 : vector<16xf32> to vector<16xf32>
    %swap3A_209 = vector.shape_cast %broadcast_in_dim3A_205 : vector<16xf32> to vector<16xf32>
    tpu.vector_store %arg7[%swap3A_206], %swap3A_209 {strides = array<i32>} : memref<1024xf32, #tpu.memory_space<vmem>>, vector<16xf32>,
    %broadcast_in_dim3A_210 = arith.constant 1.000000e+00 : f32
    %broadcast_in_dim3A_211 = vector.broadcast %broadcast_in_dim3A_210 : f32 to vector<16xf32>
    %swap3A_212 = arith.constant 544 : index
    %swap3A_213 = tpu.vector_load %arg7[%swap3A_212] {strides = array<i32>} : memref<1024xf32, #tpu.memory_space<vmem>>, vector<16xf32>,
    %swap3A_214 = vector.shape_cast %swap3A_213 : vector<16xf32> to vector<16xf32>
    %swap3A_215 = vector.shape_cast %broadcast_in_dim3A_211 : vector<16xf32> to vector<16xf32>
    tpu.vector_store %arg7[%swap3A_212], %swap3A_215 {strides = array<i32>} : memref<1024xf32, #tpu.memory_space<vmem>>, vector<16xf32>,
    %broadcast_in_dim3A_216 = arith.constant 1.000000e+00 : f32
    %broadcast_in_dim3A_217 = vector.broadcast %broadcast_in_dim3A_216 : f32 to vector<16xf32>
    %swap3A_218 = arith.constant 560 : index
    %swap3A_219 = tpu.vector_load %arg7[%swap3A_218] {strides = array<i32>} : memref<1024xf32, #tpu.memory_space<vmem>>, vector<16xf32>,
    %swap3A_220 = vector.shape_cast %swap3A_219 : vector<16xf32> to vector<16xf32>
    %swap3A_221 = vector.shape_cast %broadcast_in_dim3A_217 : vector<16xf32> to vector<16xf32>
    tpu.vector_store %arg7[%swap3A_218], %swap3A_221 {strides = array<i32>} : memref<1024xf32, #tpu.memory_space<vmem>>, vector<16xf32>,
    %broadcast_in_dim3A_222 = arith.constant 1.000000e+00 : f32
    %broadcast_in_dim3A_223 = vector.broadcast %broadcast_in_dim3A_222 : f32 to vector<16xf32>
    %swap3A_224 = arith.constant 576 : index
    %swap3A_225 = tpu.vector_load %arg7[%swap3A_224] {strides = array<i32>} : memref<1024xf32, #tpu.memory_space<vmem>>, vector<16xf32>,
    %swap3A_226 = vector.shape_cast %swap3A_225 : vector<16xf32> to vector<16xf32>
    %swap3A_227 = vector.shape_cast %broadcast_in_dim3A_223 : vector<16xf32> to vector<16xf32>
    tpu.vector_store %arg7[%swap3A_224], %swap3A_227 {strides = array<i32>} : memref<1024xf32, #tpu.memory_space<vmem>>, vector<16xf32>,
    %broadcast_in_dim3A_228 = arith.constant 1.000000e+00 : f32
    %broadcast_in_dim3A_229 = vector.broadcast %broadcast_in_dim3A_228 : f32 to vector<16xf32>
    %swap3A_230 = arith.constant 592 : index
    %swap3A_231 = tpu.vector_load %arg7[%swap3A_230] {strides = array<i32>} : memref<1024xf32, #tpu.memory_space<vmem>>, vector<16xf32>,
    %swap3A_232 = vector.shape_cast %swap3A_231 : vector<16xf32> to vector<16xf32>
    %swap3A_233 = vector.shape_cast %broadcast_in_dim3A_229 : vector<16xf32> to vector<16xf32>
    tpu.vector_store %arg7[%swap3A_230], %swap3A_233 {strides = array<i32>} : memref<1024xf32, #tpu.memory_space<vmem>>, vector<16xf32>,
    %broadcast_in_dim3A_234 = arith.constant 1.000000e+00 : f32
    %broadcast_in_dim3A_235 = vector.broadcast %broadcast_in_dim3A_234 : f32 to vector<16xf32>
    %swap3A_236 = arith.constant 608 : index
    %swap3A_237 = tpu.vector_load %arg7[%swap3A_236] {strides = array<i32>} : memref<1024xf32, #tpu.memory_space<vmem>>, vector<16xf32>,
    %swap3A_238 = vector.shape_cast %swap3A_237 : vector<16xf32> to vector<16xf32>
    %swap3A_239 = vector.shape_cast %broadcast_in_dim3A_235 : vector<16xf32> to vector<16xf32>
    tpu.vector_store %arg7[%swap3A_236], %swap3A_239 {strides = array<i32>} : memref<1024xf32, #tpu.memory_space<vmem>>, vector<16xf32>,
    %broadcast_in_dim3A_240 = arith.constant 1.000000e+00 : f32
    %broadcast_in_dim3A_241 = vector.broadcast %broadcast_in_dim3A_240 : f32 to vector<16xf32>
    %swap3A_242 = arith.constant 624 : index
    %swap3A_243 = tpu.vector_load %arg7[%swap3A_242] {strides = array<i32>} : memref<1024xf32, #tpu.memory_space<vmem>>, vector<16xf32>,
    %swap3A_244 = vector.shape_cast %swap3A_243 : vector<16xf32> to vector<16xf32>
    %swap3A_245 = vector.shape_cast %broadcast_in_dim3A_241 : vector<16xf32> to vector<16xf32>
    tpu.vector_store %arg7[%swap3A_242], %swap3A_245 {strides = array<i32>} : memref<1024xf32, #tpu.memory_space<vmem>>, vector<16xf32>,
    %broadcast_in_dim3A_246 = arith.constant 1.000000e+00 : f32
    %broadcast_in_dim3A_247 = vector.broadcast %broadcast_in_dim3A_246 : f32 to vector<16xf32>
    %swap3A_248 = arith.constant 640 : index
    %swap3A_249 = tpu.vector_load %arg7[%swap3A_248] {strides = array<i32>} : memref<1024xf32, #tpu.memory_space<vmem>>, vector<16xf32>,
    %swap3A_250 = vector.shape_cast %swap3A_249 : vector<16xf32> to vector<16xf32>
    %swap3A_251 = vector.shape_cast %broadcast_in_dim3A_247 : vector<16xf32> to vector<16xf32>
    tpu.vector_store %arg7[%swap3A_248], %swap3A_251 {strides = array<i32>} : memref<1024xf32, #tpu.memory_space<vmem>>, vector<16xf32>,
    %broadcast_in_dim3A_252 = arith.constant 1.000000e+00 : f32
    %broadcast_in_dim3A_253 = vector.broadcast %broadcast_in_dim3A_252 : f32 to vector<16xf32>
    %swap3A_254 = arith.constant 656 : index
    %swap3A_255 = tpu.vector_load %arg7[%swap3A_254] {strides = array<i32>} : memref<1024xf32, #tpu.memory_space<vmem>>, vector<16xf32>,
    %swap3A_256 = vector.shape_cast %swap3A_255 : vector<16xf32> to vector<16xf32>
    %swap3A_257 = vector.shape_cast %broadcast_in_dim3A_253 : vector<16xf32> to vector<16xf32>
    tpu.vector_store %arg7[%swap3A_254], %swap3A_257 {strides = array<i32>} : memref<1024xf32, #tpu.memory_space<vmem>>, vector<16xf32>,
    %broadcast_in_dim3A_258 = arith.constant 1.000000e+00 : f32
    %broadcast_in_dim3A_259 = vector.broadcast %broadcast_in_dim3A_258 : f32 to vector<16xf32>
    %swap3A_260 = arith.constant 672 : index
    %swap3A_261 = tpu.vector_load %arg7[%swap3A_260] {strides = array<i32>} : memref<1024xf32, #tpu.memory_space<vmem>>, vector<16xf32>,
    %swap3A_262 = vector.shape_cast %swap3A_261 : vector<16xf32> to vector<16xf32>
    %swap3A_263 = vector.shape_cast %broadcast_in_dim3A_259 : vector<16xf32> to vector<16xf32>
    tpu.vector_store %arg7[%swap3A_260], %swap3A_263 {strides = array<i32>} : memref<1024xf32, #tpu.memory_space<vmem>>, vector<16xf32>,
    %broadcast_in_dim3A_264 = arith.constant 1.000000e+00 : f32
    %broadcast_in_dim3A_265 = vector.broadcast %broadcast_in_dim3A_264 : f32 to vector<16xf32>
    %swap3A_266 = arith.constant 688 : index
    %swap3A_267 = tpu.vector_load %arg7[%swap3A_266] {strides = array<i32>} : memref<1024xf32, #tpu.memory_space<vmem>>, vector<16xf32>,
    %swap3A_268 = vector.shape_cast %swap3A_267 : vector<16xf32> to vector<16xf32>
    %swap3A_269 = vector.shape_cast %broadcast_in_dim3A_265 : vector<16xf32> to vector<16xf32>
    tpu.vector_store %arg7[%swap3A_266], %swap3A_269 {strides = array<i32>} : memref<1024xf32, #tpu.memory_space<vmem>>, vector<16xf32>,
    %broadcast_in_dim3A_270 = arith.constant 1.000000e+00 : f32
    %broadcast_in_dim3A_271 = vector.broadcast %broadcast_in_dim3A_270 : f32 to vector<16xf32>
    %swap3A_272 = arith.constant 704 : index
    %swap3A_273 = tpu.vector_load %arg7[%swap3A_272] {strides = array<i32>} : memref<1024xf32, #tpu.memory_space<vmem>>, vector<16xf32>,
    %swap3A_274 = vector.shape_cast %swap3A_273 : vector<16xf32> to vector<16xf32>
    %swap3A_275 = vector.shape_cast %broadcast_in_dim3A_271 : vector<16xf32> to vector<16xf32>
    tpu.vector_store %arg7[%swap3A_272], %swap3A_275 {strides = array<i32>} : memref<1024xf32, #tpu.memory_space<vmem>>, vector<16xf32>,
    %broadcast_in_dim3A_276 = arith.constant 1.000000e+00 : f32
    %broadcast_in_dim3A_277 = vector.broadcast %broadcast_in_dim3A_276 : f32 to vector<16xf32>
    %swap3A_278 = arith.constant 720 : index
    %swap3A_279 = tpu.vector_load %arg7[%swap3A_278] {strides = array<i32>} : memref<1024xf32, #tpu.memory_space<vmem>>, vector<16xf32>,
    %swap3A_280 = vector.shape_cast %swap3A_279 : vector<16xf32> to vector<16xf32>
    %swap3A_281 = vector.shape_cast %broadcast_in_dim3A_277 : vector<16xf32> to vector<16xf32>
    tpu.vector_store %arg7[%swap3A_278], %swap3A_281 {strides = array<i32>} : memref<1024xf32, #tpu.memory_space<vmem>>, vector<16xf32>,
    %broadcast_in_dim3A_282 = arith.constant 1.000000e+00 : f32
    %broadcast_in_dim3A_283 = vector.broadcast %broadcast_in_dim3A_282 : f32 to vector<16xf32>
    %swap3A_284 = arith.constant 736 : index
    %swap3A_285 = tpu.vector_load %arg7[%swap3A_284] {strides = array<i32>} : memref<1024xf32, #tpu.memory_space<vmem>>, vector<16xf32>,
    %swap3A_286 = vector.shape_cast %swap3A_285 : vector<16xf32> to vector<16xf32>
    %swap3A_287 = vector.shape_cast %broadcast_in_dim3A_283 : vector<16xf32> to vector<16xf32>
    tpu.vector_store %arg7[%swap3A_284], %swap3A_287 {strides = array<i32>} : memref<1024xf32, #tpu.memory_space<vmem>>, vector<16xf32>,
    %broadcast_in_dim3A_288 = arith.constant 1.000000e+00 : f32
    %broadcast_in_dim3A_289 = vector.broadcast %broadcast_in_dim3A_288 : f32 to vector<16xf32>
    %swap3A_290 = arith.constant 752 : index
    %swap3A_291 = tpu.vector_load %arg7[%swap3A_290] {strides = array<i32>} : memref<1024xf32, #tpu.memory_space<vmem>>, vector<16xf32>,
    %swap3A_292 = vector.shape_cast %swap3A_291 : vector<16xf32> to vector<16xf32>
    %swap3A_293 = vector.shape_cast %broadcast_in_dim3A_289 : vector<16xf32> to vector<16xf32>
    tpu.vector_store %arg7[%swap3A_290], %swap3A_293 {strides = array<i32>} : memref<1024xf32, #tpu.memory_space<vmem>>, vector<16xf32>,
    %broadcast_in_dim3A_294 = arith.constant 1.000000e+00 : f32
    %broadcast_in_dim3A_295 = vector.broadcast %broadcast_in_dim3A_294 : f32 to vector<16xf32>
    %swap3A_296 = arith.constant 768 : index
    %swap3A_297 = tpu.vector_load %arg7[%swap3A_296] {strides = array<i32>} : memref<1024xf32, #tpu.memory_space<vmem>>, vector<16xf32>,
    %swap3A_298 = vector.shape_cast %swap3A_297 : vector<16xf32> to vector<16xf32>
    %swap3A_299 = vector.shape_cast %broadcast_in_dim3A_295 : vector<16xf32> to vector<16xf32>
    tpu.vector_store %arg7[%swap3A_296], %swap3A_299 {strides = array<i32>} : memref<1024xf32, #tpu.memory_space<vmem>>, vector<16xf32>,
    %broadcast_in_dim3A_300 = arith.constant 1.000000e+00 : f32
    %broadcast_in_dim3A_301 = vector.broadcast %broadcast_in_dim3A_300 : f32 to vector<16xf32>
    %swap3A_302 = arith.constant 784 : index
    %swap3A_303 = tpu.vector_load %arg7[%swap3A_302] {strides = array<i32>} : memref<1024xf32, #tpu.memory_space<vmem>>, vector<16xf32>,
    %swap3A_304 = vector.shape_cast %swap3A_303 : vector<16xf32> to vector<16xf32>
    %swap3A_305 = vector.shape_cast %broadcast_in_dim3A_301 : vector<16xf32> to vector<16xf32>
    tpu.vector_store %arg7[%swap3A_302], %swap3A_305 {strides = array<i32>} : memref<1024xf32, #tpu.memory_space<vmem>>, vector<16xf32>,
    %broadcast_in_dim3A_306 = arith.constant 1.000000e+00 : f32
    %broadcast_in_dim3A_307 = vector.broadcast %broadcast_in_dim3A_306 : f32 to vector<16xf32>
    %swap3A_308 = arith.constant 800 : index
    %swap3A_309 = tpu.vector_load %arg7[%swap3A_308] {strides = array<i32>} : memref<1024xf32, #tpu.memory_space<vmem>>, vector<16xf32>,
    %swap3A_310 = vector.shape_cast %swap3A_309 : vector<16xf32> to vector<16xf32>
    %swap3A_311 = vector.shape_cast %broadcast_in_dim3A_307 : vector<16xf32> to vector<16xf32>
    tpu.vector_store %arg7[%swap3A_308], %swap3A_311 {strides = array<i32>} : memref<1024xf32, #tpu.memory_space<vmem>>, vector<16xf32>,
    %broadcast_in_dim3A_312 = arith.constant 1.000000e+00 : f32
    %broadcast_in_dim3A_313 = vector.broadcast %broadcast_in_dim3A_312 : f32 to vector<16xf32>
    %swap3A_314 = arith.constant 816 : index
    %swap3A_315 = tpu.vector_load %arg7[%swap3A_314] {strides = array<i32>} : memref<1024xf32, #tpu.memory_space<vmem>>, vector<16xf32>,
    %swap3A_316 = vector.shape_cast %swap3A_315 : vector<16xf32> to vector<16xf32>
    %swap3A_317 = vector.shape_cast %broadcast_in_dim3A_313 : vector<16xf32> to vector<16xf32>
    tpu.vector_store %arg7[%swap3A_314], %swap3A_317 {strides = array<i32>} : memref<1024xf32, #tpu.memory_space<vmem>>, vector<16xf32>,
    %broadcast_in_dim3A_318 = arith.constant 1.000000e+00 : f32
    %broadcast_in_dim3A_319 = vector.broadcast %broadcast_in_dim3A_318 : f32 to vector<16xf32>
    %swap3A_320 = arith.constant 832 : index
    %swap3A_321 = tpu.vector_load %arg7[%swap3A_320] {strides = array<i32>} : memref<1024xf32, #tpu.memory_space<vmem>>, vector<16xf32>,
    %swap3A_322 = vector.shape_cast %swap3A_321 : vector<16xf32> to vector<16xf32>
    %swap3A_323 = vector.shape_cast %broadcast_in_dim3A_319 : vector<16xf32> to vector<16xf32>
    tpu.vector_store %arg7[%swap3A_320], %swap3A_323 {strides = array<i32>} : memref<1024xf32, #tpu.memory_space<vmem>>, vector<16xf32>,
    %broadcast_in_dim3A_324 = arith.constant 1.000000e+00 : f32
    %broadcast_in_dim3A_325 = vector.broadcast %broadcast_in_dim3A_324 : f32 to vector<16xf32>
    %swap3A_326 = arith.constant 848 : index
    %swap3A_327 = tpu.vector_load %arg7[%swap3A_326] {strides = array<i32>} : memref<1024xf32, #tpu.memory_space<vmem>>, vector<16xf32>,
    %swap3A_328 = vector.shape_cast %swap3A_327 : vector<16xf32> to vector<16xf32>
    %swap3A_329 = vector.shape_cast %broadcast_in_dim3A_325 : vector<16xf32> to vector<16xf32>
    tpu.vector_store %arg7[%swap3A_326], %swap3A_329 {strides = array<i32>} : memref<1024xf32, #tpu.memory_space<vmem>>, vector<16xf32>,
    %broadcast_in_dim3A_330 = arith.constant 1.000000e+00 : f32
    %broadcast_in_dim3A_331 = vector.broadcast %broadcast_in_dim3A_330 : f32 to vector<16xf32>
    %swap3A_332 = arith.constant 864 : index
    %swap3A_333 = tpu.vector_load %arg7[%swap3A_332] {strides = array<i32>} : memref<1024xf32, #tpu.memory_space<vmem>>, vector<16xf32>,
    %swap3A_334 = vector.shape_cast %swap3A_333 : vector<16xf32> to vector<16xf32>
    %swap3A_335 = vector.shape_cast %broadcast_in_dim3A_331 : vector<16xf32> to vector<16xf32>
    tpu.vector_store %arg7[%swap3A_332], %swap3A_335 {strides = array<i32>} : memref<1024xf32, #tpu.memory_space<vmem>>, vector<16xf32>,
    %broadcast_in_dim3A_336 = arith.constant 1.000000e+00 : f32
    %broadcast_in_dim3A_337 = vector.broadcast %broadcast_in_dim3A_336 : f32 to vector<16xf32>
    %swap3A_338 = arith.constant 880 : index
    %swap3A_339 = tpu.vector_load %arg7[%swap3A_338] {strides = array<i32>} : memref<1024xf32, #tpu.memory_space<vmem>>, vector<16xf32>,
    %swap3A_340 = vector.shape_cast %swap3A_339 : vector<16xf32> to vector<16xf32>
    %swap3A_341 = vector.shape_cast %broadcast_in_dim3A_337 : vector<16xf32> to vector<16xf32>
    tpu.vector_store %arg7[%swap3A_338], %swap3A_341 {strides = array<i32>} : memref<1024xf32, #tpu.memory_space<vmem>>, vector<16xf32>,
    %broadcast_in_dim3A_342 = arith.constant 1.000000e+00 : f32
    %broadcast_in_dim3A_343 = vector.broadcast %broadcast_in_dim3A_342 : f32 to vector<16xf32>
    %swap3A_344 = arith.constant 896 : index
    %swap3A_345 = tpu.vector_load %arg7[%swap3A_344] {strides = array<i32>} : memref<1024xf32, #tpu.memory_space<vmem>>, vector<16xf32>,
    %swap3A_346 = vector.shape_cast %swap3A_345 : vector<16xf32> to vector<16xf32>
    %swap3A_347 = vector.shape_cast %broadcast_in_dim3A_343 : vector<16xf32> to vector<16xf32>
    tpu.vector_store %arg7[%swap3A_344], %swap3A_347 {strides = array<i32>} : memref<1024xf32, #tpu.memory_space<vmem>>, vector<16xf32>,
    %broadcast_in_dim3A_348 = arith.constant 1.000000e+00 : f32
    %broadcast_in_dim3A_349 = vector.broadcast %broadcast_in_dim3A_348 : f32 to vector<16xf32>
    %swap3A_350 = arith.constant 912 : index
    %swap3A_351 = tpu.vector_load %arg7[%swap3A_350] {strides = array<i32>} : memref<1024xf32, #tpu.memory_space<vmem>>, vector<16xf32>,
    %swap3A_352 = vector.shape_cast %swap3A_351 : vector<16xf32> to vector<16xf32>
    %swap3A_353 = vector.shape_cast %broadcast_in_dim3A_349 : vector<16xf32> to vector<16xf32>
    tpu.vector_store %arg7[%swap3A_350], %swap3A_353 {strides = array<i32>} : memref<1024xf32, #tpu.memory_space<vmem>>, vector<16xf32>,
    %broadcast_in_dim3A_354 = arith.constant 1.000000e+00 : f32
    %broadcast_in_dim3A_355 = vector.broadcast %broadcast_in_dim3A_354 : f32 to vector<16xf32>
    %swap3A_356 = arith.constant 928 : index
    %swap3A_357 = tpu.vector_load %arg7[%swap3A_356] {strides = array<i32>} : memref<1024xf32, #tpu.memory_space<vmem>>, vector<16xf32>,
    %swap3A_358 = vector.shape_cast %swap3A_357 : vector<16xf32> to vector<16xf32>
    %swap3A_359 = vector.shape_cast %broadcast_in_dim3A_355 : vector<16xf32> to vector<16xf32>
    tpu.vector_store %arg7[%swap3A_356], %swap3A_359 {strides = array<i32>} : memref<1024xf32, #tpu.memory_space<vmem>>, vector<16xf32>,
    %broadcast_in_dim3A_360 = arith.constant 1.000000e+00 : f32
    %broadcast_in_dim3A_361 = vector.broadcast %broadcast_in_dim3A_360 : f32 to vector<16xf32>
    %swap3A_362 = arith.constant 944 : index
    %swap3A_363 = tpu.vector_load %arg7[%swap3A_362] {strides = array<i32>} : memref<1024xf32, #tpu.memory_space<vmem>>, vector<16xf32>,
    %swap3A_364 = vector.shape_cast %swap3A_363 : vector<16xf32> to vector<16xf32>
    %swap3A_365 = vector.shape_cast %broadcast_in_dim3A_361 : vector<16xf32> to vector<16xf32>
    tpu.vector_store %arg7[%swap3A_362], %swap3A_365 {strides = array<i32>} : memref<1024xf32, #tpu.memory_space<vmem>>, vector<16xf32>,
    %broadcast_in_dim3A_366 = arith.constant 1.000000e+00 : f32
    %broadcast_in_dim3A_367 = vector.broadcast %broadcast_in_dim3A_366 : f32 to vector<16xf32>
    %swap3A_368 = arith.constant 960 : index
    %swap3A_369 = tpu.vector_load %arg7[%swap3A_368] {strides = array<i32>} : memref<1024xf32, #tpu.memory_space<vmem>>, vector<16xf32>,
    %swap3A_370 = vector.shape_cast %swap3A_369 : vector<16xf32> to vector<16xf32>
    %swap3A_371 = vector.shape_cast %broadcast_in_dim3A_367 : vector<16xf32> to vector<16xf32>
    tpu.vector_store %arg7[%swap3A_368], %swap3A_371 {strides = array<i32>} : memref<1024xf32, #tpu.memory_space<vmem>>, vector<16xf32>,
    %broadcast_in_dim3A_372 = arith.constant 1.000000e+00 : f32
    %broadcast_in_dim3A_373 = vector.broadcast %broadcast_in_dim3A_372 : f32 to vector<16xf32>
    %swap3A_374 = arith.constant 976 : index
    %swap3A_375 = tpu.vector_load %arg7[%swap3A_374] {strides = array<i32>} : memref<1024xf32, #tpu.memory_space<vmem>>, vector<16xf32>,
    %swap3A_376 = vector.shape_cast %swap3A_375 : vector<16xf32> to vector<16xf32>
    %swap3A_377 = vector.shape_cast %broadcast_in_dim3A_373 : vector<16xf32> to vector<16xf32>
    tpu.vector_store %arg7[%swap3A_374], %swap3A_377 {strides = array<i32>} : memref<1024xf32, #tpu.memory_space<vmem>>, vector<16xf32>,
    %broadcast_in_dim3A_378 = arith.constant 1.000000e+00 : f32
    %broadcast_in_dim3A_379 = vector.broadcast %broadcast_in_dim3A_378 : f32 to vector<16xf32>
    %swap3A_380 = arith.constant 992 : index
    %swap3A_381 = tpu.vector_load %arg7[%swap3A_380] {strides = array<i32>} : memref<1024xf32, #tpu.memory_space<vmem>>, vector<16xf32>,
    %swap3A_382 = vector.shape_cast %swap3A_381 : vector<16xf32> to vector<16xf32>
    %swap3A_383 = vector.shape_cast %broadcast_in_dim3A_379 : vector<16xf32> to vector<16xf32>
    tpu.vector_store %arg7[%swap3A_380], %swap3A_383 {strides = array<i32>} : memref<1024xf32, #tpu.memory_space<vmem>>, vector<16xf32>,
    %broadcast_in_dim3A_384 = arith.constant 1.000000e+00 : f32
    %broadcast_in_dim3A_385 = vector.broadcast %broadcast_in_dim3A_384 : f32 to vector<16xf32>
    %swap3A_386 = arith.constant 1008 : index
    %swap3A_387 = tpu.vector_load %arg7[%swap3A_386] {strides = array<i32>} : memref<1024xf32, #tpu.memory_space<vmem>>, vector<16xf32>,
    %swap3A_388 = vector.shape_cast %swap3A_387 : vector<16xf32> to vector<16xf32>
    %swap3A_389 = vector.shape_cast %broadcast_in_dim3A_385 : vector<16xf32> to vector<16xf32>
    tpu.vector_store %arg7[%swap3A_386], %swap3A_389 {strides = array<i32>} : memref<1024xf32, #tpu.memory_space<vmem>>, vector<16xf32>,
    %dma_wait3A = tpu.memref_slice %arg8[%mul3A_2] : memref<10240xf32, #tpu.memory_space<vmem_shared>> -> memref<640xf32, #tpu.memory_space<vmem_shared>>
    %dma_wait3A_390 = tpu.memref_slice %arg3[%mul3A_2] : memref<10240xf32, #tpu.memory_space<hbm>> -> memref<640xf32, #tpu.memory_space<hbm>>
    tpu.wait_dma2 semaphore(%arg9 : memref<!tpu.dma_semaphore, #tpu.memory_space<semaphore_mem>>) src(%dma_wait3A_390 : memref<640xf32, #tpu.memory_space<hbm>>) dst(%dma_wait3A : memref<640xf32, #tpu.memory_space<vmem_shared>>)
    %mul3A_391 = arith.constant 10240 : i32
    %mul3A_392 = arith.muli %add3A, %mul3A_391 : i32
    %dma_wait3A_393 = tpu.memref_slice %arg2[%mul3A_392] : memref<327680xi32, #tpu.memory_space<hbm>> -> memref<10240xi32, #tpu.memory_space<hbm>>
    %dma_wait3A_394 = tpu.memref_slice %arg2[%mul3A_392] : memref<327680xi32, #tpu.memory_space<hbm>> -> memref<10240xi32, #tpu.memory_space<hbm>>
    tpu.wait_dma2 semaphore(%arg9 : memref<!tpu.dma_semaphore, #tpu.memory_space<semaphore_mem>>) src(%dma_wait3A_394 : memref<10240xi32, #tpu.memory_space<hbm>>) dst(%arg6 : memref<10240xi32, #tpu.memory_space<vmem>>)
    %barrier3A = arith.constant 0 : index
    tpu.barrier barrier_id(%barrier3A)
    %scan3A = arith.constant 0 : i32
    %scan3A_395 = arith.constant 0 : i32
    %scan3A_396 = arith.constant 10 : i32
    %scan3A_397 = arith.addi %scan3A_395, %scan3A_396 : i32
    %scan3A_398 = arith.constant 1 : i32
    scf.for %scan3A_414 = %scan3A_395 to %scan3A_397 step %scan3A_398  : i32 {
      %mul3A_415 = arith.constant 1024 : i32
      %mul3A_416 = arith.muli %scan3A_414, %mul3A_415 : i32
      %dma_start3A_417 = tpu.memref_slice %arg6[%mul3A_416] : memref<10240xi32, #tpu.memory_space<vmem>> -> memref<1024xi32, #tpu.memory_space<vmem>>
      %dma_start3A_418 = arith.constant 0 : i32
      %dma_start3A_419 = tpu.memref_slice %arg8[%dma_start3A_418] : memref<10240xf32, #tpu.memory_space<vmem_shared>> -> memref<10240xf32, #tpu.memory_space<vmem_shared>>
      tpu.enqueue_indirect_dma source(%arg7 : memref<1024xf32, #tpu.memory_space<vmem>>) target(%dma_start3A_419 : memref<10240xf32, #tpu.memory_space<vmem_shared>>) offsets(%dma_start3A_417 : memref<1024xi32, #tpu.memory_space<vmem>>) semaphore(%arg9 : memref<!tpu.dma_semaphore, #tpu.memory_space<semaphore_mem>>) {add = true}
    }
    %scan3A_399 = arith.constant 10 : i32
    %scan3A_400 = arith.constant 0 : i32
    %scan3A_401 = arith.constant 0 : i32
    %scan3A_402 = arith.constant 10 : i32
    %scan3A_403 = arith.addi %scan3A_401, %scan3A_402 : i32
    %scan3A_404 = arith.constant 1 : i32
    scf.for %scan3A_414 = %scan3A_401 to %scan3A_403 step %scan3A_404  : i32 {
      %dma_wait3A_415 = arith.constant 0 : i32
      %dma_wait3A_416 = tpu.memref_slice %arg6[%dma_wait3A_415] : memref<10240xi32, #tpu.memory_space<vmem>> -> memref<1024xi32, #tpu.memory_space<vmem>>
      %dma_wait3A_417 = arith.constant 0 : i32
      %dma_wait3A_418 = tpu.memref_slice %arg8[%dma_wait3A_417] : memref<10240xf32, #tpu.memory_space<vmem_shared>> -> memref<10240xf32, #tpu.memory_space<vmem_shared>>
      tpu.wait_indirect_dma semaphore(%arg9 : memref<!tpu.dma_semaphore, #tpu.memory_space<semaphore_mem>>) src(%arg7 : memref<1024xf32, #tpu.memory_space<vmem>>) dst(%dma_wait3A_418 : memref<10240xf32, #tpu.memory_space<vmem_shared>>)
    }
    %scan3A_405 = arith.constant 10 : i32
    %barrier3A_406 = arith.constant 0 : index
    tpu.barrier barrier_id(%barrier3A_406)
    %eq3A = arith.constant 0 : i32
    %eq3A_407 = arith.cmpi eq, %arg0, %eq3A : i32
    %convert_element_type3A = arith.extui %eq3A_407 : i1 to i32
    %cond3A = arith.constant 0 : i32
    %cond3A_408 = arith.cmpi ne, %convert_element_type3A, %cond3A : i32
    scf.if %cond3A_408 {
      "tpu.region"() ({
        %run_scoped3A = tpu.sem_alloc : memref<!tpu.dma_semaphore, #tpu.memory_space<semaphore_mem>>
        %dma_start3A_414 = tpu.memref_slice %arg4[%mul3A_2] : memref<10240xf32, #tpu.memory_space<hbm>> -> memref<640xf32, #tpu.memory_space<hbm>>
        %dma_start3A_415 = tpu.memref_slice %arg8[%mul3A_2] : memref<10240xf32, #tpu.memory_space<vmem_shared>> -> memref<640xf32, #tpu.memory_space<vmem_shared>>
        tpu.enqueue_dma source(%dma_start3A_415 : memref<640xf32, #tpu.memory_space<vmem_shared>>) target(%dma_start3A_414 : memref<640xf32, #tpu.memory_space<hbm>>) target_semaphore(%run_scoped3A : memref<!tpu.dma_semaphore, #tpu.memory_space<semaphore_mem>>)
        %dma_wait3A_416 = tpu.memref_slice %arg4[%mul3A_2] : memref<10240xf32, #tpu.memory_space<hbm>> -> memref<640xf32, #tpu.memory_space<hbm>>
        %dma_wait3A_417 = tpu.memref_slice %arg8[%mul3A_2] : memref<10240xf32, #tpu.memory_space<vmem_shared>> -> memref<640xf32, #tpu.memory_space<vmem_shared>>
        tpu.wait_dma2 semaphore(%run_scoped3A : memref<!tpu.dma_semaphore, #tpu.memory_space<semaphore_mem>>) src(%dma_wait3A_417 : memref<640xf32, #tpu.memory_space<vmem_shared>>) dst(%dma_wait3A_416 : memref<640xf32, #tpu.memory_space<hbm>>)
        tpu.yield
      }) : () -> ()
    } else {
    }
    %eq3A_409 = arith.constant 1 : i32
    %eq3A_410 = arith.cmpi eq, %arg0, %eq3A_409 : i32
    %convert_element_type3A_411 = arith.extui %eq3A_410 : i1 to i32
    %cond3A_412 = arith.constant 0 : i32
    %cond3A_413 = arith.cmpi ne, %convert_element_type3A_411, %cond3A_412 : i32
    scf.if %cond3A_413 {
      "tpu.region"() ({
        %run_scoped3A = tpu.sem_alloc : memref<!tpu.dma_semaphore, #tpu.memory_space<semaphore_mem>>
        %dma_start3A_414 = tpu.memref_slice %arg5[%mul3A_2] : memref<10240xf32, #tpu.memory_space<hbm>> -> memref<640xf32, #tpu.memory_space<hbm>>
        %dma_start3A_415 = tpu.memref_slice %arg8[%mul3A_2] : memref<10240xf32, #tpu.memory_space<vmem_shared>> -> memref<640xf32, #tpu.memory_space<vmem_shared>>
        tpu.enqueue_dma source(%dma_start3A_415 : memref<640xf32, #tpu.memory_space<vmem_shared>>) target(%dma_start3A_414 : memref<640xf32, #tpu.memory_space<hbm>>) target_semaphore(%run_scoped3A : memref<!tpu.dma_semaphore, #tpu.memory_space<semaphore_mem>>)
        %dma_wait3A_416 = tpu.memref_slice %arg5[%mul3A_2] : memref<10240xf32, #tpu.memory_space<hbm>> -> memref<640xf32, #tpu.memory_space<hbm>>
        %dma_wait3A_417 = tpu.memref_slice %arg8[%mul3A_2] : memref<10240xf32, #tpu.memory_space<vmem_shared>> -> memref<640xf32, #tpu.memory_space<vmem_shared>>
        tpu.wait_dma2 semaphore(%run_scoped3A : memref<!tpu.dma_semaphore, #tpu.memory_space<semaphore_mem>>) src(%dma_wait3A_417 : memref<640xf32, #tpu.memory_space<vmem_shared>>) dst(%dma_wait3A_416 : memref<640xf32, #tpu.memory_space<hbm>>)
        tpu.yield
      }) : () -> ()
    } else {
    }
    return
  }
}

#map = affine_map<(d0, d1) -> (0)>
#map1 = affine_map<(d0, d1) -> (0, 0)>
#map2 = affine_map<(d0, d1) -> (0, 0, 0)>
module attributes {stable_mosaic.version = 14 : i64} {
  func.func @_agg_kernel(%arg0: i32, %arg1: i32, %arg2: memref<327680xi32, #tpu.memory_space<hbm>>, %arg3: memref<327680xi32, #tpu.memory_space<hbm>>, %arg4: memref<10000x16xf32, #tpu.memory_space<hbm>>, %arg5: memref<10240x16xf32, #tpu.memory_space<hbm>>, %arg6: memref<2x10240x16xf32, #tpu.memory_space<hbm>>, %arg7: memref<10240xi32, #tpu.memory_space<vmem>>, %arg8: memref<10240xi32, #tpu.memory_space<vmem>>, %arg9: memref<5x1024x16xf32, #tpu.memory_space<vmem>>, %arg10: memref<10240x16xf32, #tpu.memory_space<vmem_shared>>, %arg11: memref<10000x16xf32, #tpu.memory_space<vmem_shared>>, %arg12: memref<!tpu.dma_semaphore, #tpu.memory_space<semaphore_mem>>) attributes {dimension_semantics = [#tpu.dimension_semantics<core_parallel>, #tpu.dimension_semantics<subcore_parallel>], iteration_bounds = array<i64: 2, 16>, scalar_prefetch = 0 : i64, scratch_operands = 6 : i64, tpu.core_type = #tpu.core_type<sc_vector_subcore>, window_params = [{transform_indices = #map}, {transform_indices = #map}, {transform_indices = #map1}, {transform_indices = #map1}, {transform_indices = #map2}]} {
    %mul3A = arith.constant 16 : i32
    %mul3A_0 = arith.muli %arg0, %mul3A : i32
    %add3A = arith.addi %mul3A_0, %arg1 : i32
    %mul3A_1 = arith.constant 640 : i32
    %mul3A_2 = arith.muli %arg1, %mul3A_1 : i32
    %mul3A_3 = arith.constant 625 : i32
    %mul3A_4 = arith.muli %arg1, %mul3A_3 : i32
    %dma_start3A = arith.constant 0 : i32
    %dma_start3A_5 = tpu.memref_slice %arg10[%mul3A_2, %dma_start3A] : memref<10240x16xf32, #tpu.memory_space<vmem_shared>> -> memref<640x16xf32, #tpu.memory_space<vmem_shared>>
    %dma_start3A_6 = arith.constant 0 : i32
    %dma_start3A_7 = tpu.memref_slice %arg5[%mul3A_2, %dma_start3A_6] : memref<10240x16xf32, #tpu.memory_space<hbm>> -> memref<640x16xf32, #tpu.memory_space<hbm>>
    tpu.enqueue_dma source(%dma_start3A_7 : memref<640x16xf32, #tpu.memory_space<hbm>>) target(%dma_start3A_5 : memref<640x16xf32, #tpu.memory_space<vmem_shared>>) target_semaphore(%arg12 : memref<!tpu.dma_semaphore, #tpu.memory_space<semaphore_mem>>)
    %dma_start3A_8 = arith.constant 0 : i32
    %dma_start3A_9 = tpu.memref_slice %arg11[%mul3A_4, %dma_start3A_8] : memref<10000x16xf32, #tpu.memory_space<vmem_shared>> -> memref<625x16xf32, #tpu.memory_space<vmem_shared>>
    %dma_start3A_10 = arith.constant 0 : i32
    %dma_start3A_11 = tpu.memref_slice %arg4[%mul3A_4, %dma_start3A_10] : memref<10000x16xf32, #tpu.memory_space<hbm>> -> memref<625x16xf32, #tpu.memory_space<hbm>>
    tpu.enqueue_dma source(%dma_start3A_11 : memref<625x16xf32, #tpu.memory_space<hbm>>) target(%dma_start3A_9 : memref<625x16xf32, #tpu.memory_space<vmem_shared>>) target_semaphore(%arg12 : memref<!tpu.dma_semaphore, #tpu.memory_space<semaphore_mem>>)
    %mul3A_12 = arith.constant 10240 : i32
    %mul3A_13 = arith.muli %add3A, %mul3A_12 : i32
    %dma_start3A_14 = tpu.memref_slice %arg2[%mul3A_13] : memref<327680xi32, #tpu.memory_space<hbm>> -> memref<10240xi32, #tpu.memory_space<hbm>>
    %dma_start3A_15 = tpu.memref_slice %arg2[%mul3A_13] : memref<327680xi32, #tpu.memory_space<hbm>> -> memref<10240xi32, #tpu.memory_space<hbm>>
    tpu.enqueue_dma source(%dma_start3A_15 : memref<10240xi32, #tpu.memory_space<hbm>>) target(%arg7 : memref<10240xi32, #tpu.memory_space<vmem>>) target_semaphore(%arg12 : memref<!tpu.dma_semaphore, #tpu.memory_space<semaphore_mem>>)
    %mul3A_16 = arith.constant 10240 : i32
    %mul3A_17 = arith.muli %add3A, %mul3A_16 : i32
    %dma_start3A_18 = tpu.memref_slice %arg3[%mul3A_17] : memref<327680xi32, #tpu.memory_space<hbm>> -> memref<10240xi32, #tpu.memory_space<hbm>>
    %dma_start3A_19 = tpu.memref_slice %arg3[%mul3A_17] : memref<327680xi32, #tpu.memory_space<hbm>> -> memref<10240xi32, #tpu.memory_space<hbm>>
    tpu.enqueue_dma source(%dma_start3A_19 : memref<10240xi32, #tpu.memory_space<hbm>>) target(%arg8 : memref<10240xi32, #tpu.memory_space<vmem>>) target_semaphore(%arg12 : memref<!tpu.dma_semaphore, #tpu.memory_space<semaphore_mem>>)
    %dma_wait3A = arith.constant 0 : i32
    %dma_wait3A_20 = tpu.memref_slice %arg10[%mul3A_2, %dma_wait3A] : memref<10240x16xf32, #tpu.memory_space<vmem_shared>> -> memref<640x16xf32, #tpu.memory_space<vmem_shared>>
    %dma_wait3A_21 = arith.constant 0 : i32
    %dma_wait3A_22 = tpu.memref_slice %arg5[%mul3A_2, %dma_wait3A_21] : memref<10240x16xf32, #tpu.memory_space<hbm>> -> memref<640x16xf32, #tpu.memory_space<hbm>>
    tpu.wait_dma2 semaphore(%arg12 : memref<!tpu.dma_semaphore, #tpu.memory_space<semaphore_mem>>) src(%dma_wait3A_22 : memref<640x16xf32, #tpu.memory_space<hbm>>) dst(%dma_wait3A_20 : memref<640x16xf32, #tpu.memory_space<vmem_shared>>)
    %dma_wait3A_23 = arith.constant 0 : i32
    %dma_wait3A_24 = tpu.memref_slice %arg11[%mul3A_4, %dma_wait3A_23] : memref<10000x16xf32, #tpu.memory_space<vmem_shared>> -> memref<625x16xf32, #tpu.memory_space<vmem_shared>>
    %dma_wait3A_25 = arith.constant 0 : i32
    %dma_wait3A_26 = tpu.memref_slice %arg4[%mul3A_4, %dma_wait3A_25] : memref<10000x16xf32, #tpu.memory_space<hbm>> -> memref<625x16xf32, #tpu.memory_space<hbm>>
    tpu.wait_dma2 semaphore(%arg12 : memref<!tpu.dma_semaphore, #tpu.memory_space<semaphore_mem>>) src(%dma_wait3A_26 : memref<625x16xf32, #tpu.memory_space<hbm>>) dst(%dma_wait3A_24 : memref<625x16xf32, #tpu.memory_space<vmem_shared>>)
    %mul3A_27 = arith.constant 10240 : i32
    %mul3A_28 = arith.muli %add3A, %mul3A_27 : i32
    %dma_wait3A_29 = tpu.memref_slice %arg2[%mul3A_28] : memref<327680xi32, #tpu.memory_space<hbm>> -> memref<10240xi32, #tpu.memory_space<hbm>>
    %dma_wait3A_30 = tpu.memref_slice %arg2[%mul3A_28] : memref<327680xi32, #tpu.memory_space<hbm>> -> memref<10240xi32, #tpu.memory_space<hbm>>
    tpu.wait_dma2 semaphore(%arg12 : memref<!tpu.dma_semaphore, #tpu.memory_space<semaphore_mem>>) src(%dma_wait3A_30 : memref<10240xi32, #tpu.memory_space<hbm>>) dst(%arg7 : memref<10240xi32, #tpu.memory_space<vmem>>)
    %mul3A_31 = arith.constant 10240 : i32
    %mul3A_32 = arith.muli %add3A, %mul3A_31 : i32
    %dma_wait3A_33 = tpu.memref_slice %arg3[%mul3A_32] : memref<327680xi32, #tpu.memory_space<hbm>> -> memref<10240xi32, #tpu.memory_space<hbm>>
    %dma_wait3A_34 = tpu.memref_slice %arg3[%mul3A_32] : memref<327680xi32, #tpu.memory_space<hbm>> -> memref<10240xi32, #tpu.memory_space<hbm>>
    tpu.wait_dma2 semaphore(%arg12 : memref<!tpu.dma_semaphore, #tpu.memory_space<semaphore_mem>>) src(%dma_wait3A_34 : memref<10240xi32, #tpu.memory_space<hbm>>) dst(%arg8 : memref<10240xi32, #tpu.memory_space<vmem>>)
    %barrier3A = arith.constant 0 : index
    tpu.barrier barrier_id(%barrier3A)
    %dma_start3A_35 = arith.constant 0 : i32
    %dma_start3A_36 = arith.constant 0 : i32
    %dma_start3A_37 = arith.constant 0 : i32
    %dma_start3A_38 = tpu.memref_slice %arg9[%dma_start3A_35, %dma_start3A_36, %dma_start3A_37] : memref<5x1024x16xf32, #tpu.memory_space<vmem>> -> memref<1x1024x16xf32, #tpu.memory_space<vmem>>
    %dma_start3A_39 = tpu.memref_squeeze %dma_start3A_38 : memref<1x1024x16xf32, #tpu.memory_space<vmem>> -> memref<1024x16xf32, #tpu.memory_space<vmem>>
    %dma_start3A_40 = arith.constant 0 : i32
    %dma_start3A_41 = tpu.memref_slice %arg7[%dma_start3A_40] : memref<10240xi32, #tpu.memory_space<vmem>> -> memref<1024xi32, #tpu.memory_space<vmem>>
    %dma_start3A_42 = arith.constant 0 : i32
    %dma_start3A_43 = arith.constant 0 : i32
    %dma_start3A_44 = tpu.memref_slice %arg11[%dma_start3A_42, %dma_start3A_43] : memref<10000x16xf32, #tpu.memory_space<vmem_shared>> -> memref<10000x16xf32, #tpu.memory_space<vmem_shared>>
    tpu.enqueue_indirect_dma source(%dma_start3A_44 : memref<10000x16xf32, #tpu.memory_space<vmem_shared>>) target(%dma_start3A_39 : memref<1024x16xf32, #tpu.memory_space<vmem>>) offsets(%dma_start3A_41 : memref<1024xi32, #tpu.memory_space<vmem>>) semaphore(%arg12 : memref<!tpu.dma_semaphore, #tpu.memory_space<semaphore_mem>>)
    %dma_start3A_45 = arith.constant 1 : i32
    %dma_start3A_46 = arith.constant 0 : i32
    %dma_start3A_47 = arith.constant 0 : i32
    %dma_start3A_48 = tpu.memref_slice %arg9[%dma_start3A_45, %dma_start3A_46, %dma_start3A_47] : memref<5x1024x16xf32, #tpu.memory_space<vmem>> -> memref<1x1024x16xf32, #tpu.memory_space<vmem>>
    %dma_start3A_49 = tpu.memref_squeeze %dma_start3A_48 : memref<1x1024x16xf32, #tpu.memory_space<vmem>> -> memref<1024x16xf32, #tpu.memory_space<vmem>>
    %dma_start3A_50 = arith.constant 1024 : i32
    %dma_start3A_51 = tpu.memref_slice %arg7[%dma_start3A_50] : memref<10240xi32, #tpu.memory_space<vmem>> -> memref<1024xi32, #tpu.memory_space<vmem>>
    %dma_start3A_52 = arith.constant 0 : i32
    %dma_start3A_53 = arith.constant 0 : i32
    %dma_start3A_54 = tpu.memref_slice %arg11[%dma_start3A_52, %dma_start3A_53] : memref<10000x16xf32, #tpu.memory_space<vmem_shared>> -> memref<10000x16xf32, #tpu.memory_space<vmem_shared>>
    tpu.enqueue_indirect_dma source(%dma_start3A_54 : memref<10000x16xf32, #tpu.memory_space<vmem_shared>>) target(%dma_start3A_49 : memref<1024x16xf32, #tpu.memory_space<vmem>>) offsets(%dma_start3A_51 : memref<1024xi32, #tpu.memory_space<vmem>>) semaphore(%arg12 : memref<!tpu.dma_semaphore, #tpu.memory_space<semaphore_mem>>)
    %dma_start3A_55 = arith.constant 2 : i32
    %dma_start3A_56 = arith.constant 0 : i32
    %dma_start3A_57 = arith.constant 0 : i32
    %dma_start3A_58 = tpu.memref_slice %arg9[%dma_start3A_55, %dma_start3A_56, %dma_start3A_57] : memref<5x1024x16xf32, #tpu.memory_space<vmem>> -> memref<1x1024x16xf32, #tpu.memory_space<vmem>>
    %dma_start3A_59 = tpu.memref_squeeze %dma_start3A_58 : memref<1x1024x16xf32, #tpu.memory_space<vmem>> -> memref<1024x16xf32, #tpu.memory_space<vmem>>
    %dma_start3A_60 = arith.constant 2048 : i32
    %dma_start3A_61 = tpu.memref_slice %arg7[%dma_start3A_60] : memref<10240xi32, #tpu.memory_space<vmem>> -> memref<1024xi32, #tpu.memory_space<vmem>>
    %dma_start3A_62 = arith.constant 0 : i32
    %dma_start3A_63 = arith.constant 0 : i32
    %dma_start3A_64 = tpu.memref_slice %arg11[%dma_start3A_62, %dma_start3A_63] : memref<10000x16xf32, #tpu.memory_space<vmem_shared>> -> memref<10000x16xf32, #tpu.memory_space<vmem_shared>>
    tpu.enqueue_indirect_dma source(%dma_start3A_64 : memref<10000x16xf32, #tpu.memory_space<vmem_shared>>) target(%dma_start3A_59 : memref<1024x16xf32, #tpu.memory_space<vmem>>) offsets(%dma_start3A_61 : memref<1024xi32, #tpu.memory_space<vmem>>) semaphore(%arg12 : memref<!tpu.dma_semaphore, #tpu.memory_space<semaphore_mem>>)
    %dma_start3A_65 = arith.constant 3 : i32
    %dma_start3A_66 = arith.constant 0 : i32
    %dma_start3A_67 = arith.constant 0 : i32
    %dma_start3A_68 = tpu.memref_slice %arg9[%dma_start3A_65, %dma_start3A_66, %dma_start3A_67] : memref<5x1024x16xf32, #tpu.memory_space<vmem>> -> memref<1x1024x16xf32, #tpu.memory_space<vmem>>
    %dma_start3A_69 = tpu.memref_squeeze %dma_start3A_68 : memref<1x1024x16xf32, #tpu.memory_space<vmem>> -> memref<1024x16xf32, #tpu.memory_space<vmem>>
    %dma_start3A_70 = arith.constant 3072 : i32
    %dma_start3A_71 = tpu.memref_slice %arg7[%dma_start3A_70] : memref<10240xi32, #tpu.memory_space<vmem>> -> memref<1024xi32, #tpu.memory_space<vmem>>
    %dma_start3A_72 = arith.constant 0 : i32
    %dma_start3A_73 = arith.constant 0 : i32
    %dma_start3A_74 = tpu.memref_slice %arg11[%dma_start3A_72, %dma_start3A_73] : memref<10000x16xf32, #tpu.memory_space<vmem_shared>> -> memref<10000x16xf32, #tpu.memory_space<vmem_shared>>
    tpu.enqueue_indirect_dma source(%dma_start3A_74 : memref<10000x16xf32, #tpu.memory_space<vmem_shared>>) target(%dma_start3A_69 : memref<1024x16xf32, #tpu.memory_space<vmem>>) offsets(%dma_start3A_71 : memref<1024xi32, #tpu.memory_space<vmem>>) semaphore(%arg12 : memref<!tpu.dma_semaphore, #tpu.memory_space<semaphore_mem>>)
    %dma_start3A_75 = arith.constant 4 : i32
    %dma_start3A_76 = arith.constant 0 : i32
    %dma_start3A_77 = arith.constant 0 : i32
    %dma_start3A_78 = tpu.memref_slice %arg9[%dma_start3A_75, %dma_start3A_76, %dma_start3A_77] : memref<5x1024x16xf32, #tpu.memory_space<vmem>> -> memref<1x1024x16xf32, #tpu.memory_space<vmem>>
    %dma_start3A_79 = tpu.memref_squeeze %dma_start3A_78 : memref<1x1024x16xf32, #tpu.memory_space<vmem>> -> memref<1024x16xf32, #tpu.memory_space<vmem>>
    %dma_start3A_80 = arith.constant 4096 : i32
    %dma_start3A_81 = tpu.memref_slice %arg7[%dma_start3A_80] : memref<10240xi32, #tpu.memory_space<vmem>> -> memref<1024xi32, #tpu.memory_space<vmem>>
    %dma_start3A_82 = arith.constant 0 : i32
    %dma_start3A_83 = arith.constant 0 : i32
    %dma_start3A_84 = tpu.memref_slice %arg11[%dma_start3A_82, %dma_start3A_83] : memref<10000x16xf32, #tpu.memory_space<vmem_shared>> -> memref<10000x16xf32, #tpu.memory_space<vmem_shared>>
    tpu.enqueue_indirect_dma source(%dma_start3A_84 : memref<10000x16xf32, #tpu.memory_space<vmem_shared>>) target(%dma_start3A_79 : memref<1024x16xf32, #tpu.memory_space<vmem>>) offsets(%dma_start3A_81 : memref<1024xi32, #tpu.memory_space<vmem>>) semaphore(%arg12 : memref<!tpu.dma_semaphore, #tpu.memory_space<semaphore_mem>>)
    %scan3A = arith.constant 0 : i32
    %scan3A_85 = arith.constant 0 : i32
    %scan3A_86 = arith.constant 10 : i32
    %scan3A_87 = arith.addi %scan3A_85, %scan3A_86 : i32
    %scan3A_88 = arith.constant 1 : i32
    scf.for %scan3A_91 = %scan3A_85 to %scan3A_87 step %scan3A_88  : i32 {
      %rem3A = arith.constant 5 : i32
      %rem3A_92 = arith.remsi %scan3A_91, %rem3A : i32
      %dma_wait3A_93 = arith.constant 0 : i32
      %dma_wait3A_94 = arith.constant 0 : i32
      %dma_wait3A_95 = arith.constant 0 : i32
      %dma_wait3A_96 = tpu.memref_slice %arg9[%dma_wait3A_93, %dma_wait3A_94, %dma_wait3A_95] : memref<5x1024x16xf32, #tpu.memory_space<vmem>> -> memref<1x1024x16xf32, #tpu.memory_space<vmem>>
      %dma_wait3A_97 = tpu.memref_squeeze %dma_wait3A_96 : memref<1x1024x16xf32, #tpu.memory_space<vmem>> -> memref<1024x16xf32, #tpu.memory_space<vmem>>
      %dma_wait3A_98 = arith.constant 0 : i32
      %dma_wait3A_99 = tpu.memref_slice %arg7[%dma_wait3A_98] : memref<10240xi32, #tpu.memory_space<vmem>> -> memref<1024xi32, #tpu.memory_space<vmem>>
      %dma_wait3A_100 = arith.constant 0 : i32
      %dma_wait3A_101 = arith.constant 0 : i32
      %dma_wait3A_102 = tpu.memref_slice %arg11[%dma_wait3A_100, %dma_wait3A_101] : memref<10000x16xf32, #tpu.memory_space<vmem_shared>> -> memref<10000x16xf32, #tpu.memory_space<vmem_shared>>
      tpu.wait_indirect_dma semaphore(%arg12 : memref<!tpu.dma_semaphore, #tpu.memory_space<semaphore_mem>>) src(%dma_wait3A_102 : memref<10000x16xf32, #tpu.memory_space<vmem_shared>>) dst(%dma_wait3A_97 : memref<1024x16xf32, #tpu.memory_space<vmem>>)
      %mul3A_103 = arith.constant 1024 : i32
      %mul3A_104 = arith.muli %scan3A_91, %mul3A_103 : i32
      "tpu.region"() ({
        %run_scoped3A = tpu.sem_alloc : memref<!tpu.dma_semaphore, #tpu.memory_space<semaphore_mem>>
        %dma_start3A_109 = arith.constant 0 : i32
        %dma_start3A_110 = arith.constant 0 : i32
        %dma_start3A_111 = tpu.memref_slice %arg9[%rem3A_92, %dma_start3A_109, %dma_start3A_110] : memref<5x1024x16xf32, #tpu.memory_space<vmem>> -> memref<1x1024x16xf32, #tpu.memory_space<vmem>>
        %dma_start3A_112 = tpu.memref_squeeze %dma_start3A_111 : memref<1x1024x16xf32, #tpu.memory_space<vmem>> -> memref<1024x16xf32, #tpu.memory_space<vmem>>
        %dma_start3A_113 = tpu.memref_slice %arg8[%mul3A_104] : memref<10240xi32, #tpu.memory_space<vmem>> -> memref<1024xi32, #tpu.memory_space<vmem>>
        %dma_start3A_114 = arith.constant 0 : i32
        %dma_start3A_115 = arith.constant 0 : i32
        %dma_start3A_116 = tpu.memref_slice %arg10[%dma_start3A_114, %dma_start3A_115] : memref<10240x16xf32, #tpu.memory_space<vmem_shared>> -> memref<10240x16xf32, #tpu.memory_space<vmem_shared>>
        tpu.enqueue_indirect_dma source(%dma_start3A_112 : memref<1024x16xf32, #tpu.memory_space<vmem>>) target(%dma_start3A_116 : memref<10240x16xf32, #tpu.memory_space<vmem_shared>>) offsets(%dma_start3A_113 : memref<1024xi32, #tpu.memory_space<vmem>>) semaphore(%run_scoped3A : memref<!tpu.dma_semaphore, #tpu.memory_space<semaphore_mem>>) {add = true}
        %dma_wait3A_117 = arith.constant 0 : i32
        %dma_wait3A_118 = arith.constant 0 : i32
        %dma_wait3A_119 = tpu.memref_slice %arg9[%rem3A_92, %dma_wait3A_117, %dma_wait3A_118] : memref<5x1024x16xf32, #tpu.memory_space<vmem>> -> memref<1x1024x16xf32, #tpu.memory_space<vmem>>
        %dma_wait3A_120 = tpu.memref_squeeze %dma_wait3A_119 : memref<1x1024x16xf32, #tpu.memory_space<vmem>> -> memref<1024x16xf32, #tpu.memory_space<vmem>>
        %dma_wait3A_121 = tpu.memref_slice %arg8[%mul3A_104] : memref<10240xi32, #tpu.memory_space<vmem>> -> memref<1024xi32, #tpu.memory_space<vmem>>
        %dma_wait3A_122 = arith.constant 0 : i32
        %dma_wait3A_123 = arith.constant 0 : i32
        %dma_wait3A_124 = tpu.memref_slice %arg10[%dma_wait3A_122, %dma_wait3A_123] : memref<10240x16xf32, #tpu.memory_space<vmem_shared>> -> memref<10240x16xf32, #tpu.memory_space<vmem_shared>>
        tpu.wait_indirect_dma semaphore(%run_scoped3A : memref<!tpu.dma_semaphore, #tpu.memory_space<semaphore_mem>>) src(%dma_wait3A_120 : memref<1024x16xf32, #tpu.memory_space<vmem>>) dst(%dma_wait3A_124 : memref<10240x16xf32, #tpu.memory_space<vmem_shared>>)
        tpu.yield
      }) : () -> ()
      %add3A_105 = arith.constant 5 : i32
      %add3A_106 = arith.addi %scan3A_91, %add3A_105 : i32
      %lt3A = arith.constant 10 : i32
      %lt3A_107 = arith.cmpi slt, %add3A_106, %lt3A : i32
      %convert_element_type3A = arith.extui %lt3A_107 : i1 to i32
      %cond3A = arith.constant 0 : i32
      %cond3A_108 = arith.cmpi ne, %convert_element_type3A, %cond3A : i32
      scf.if %cond3A_108 {
        %mul3A_109 = arith.constant 1024 : i32
        %mul3A_110 = arith.muli %add3A_106, %mul3A_109 : i32
        %dma_start3A_111 = arith.constant 0 : i32
        %dma_start3A_112 = arith.constant 0 : i32
        %dma_start3A_113 = tpu.memref_slice %arg9[%rem3A_92, %dma_start3A_111, %dma_start3A_112] : memref<5x1024x16xf32, #tpu.memory_space<vmem>> -> memref<1x1024x16xf32, #tpu.memory_space<vmem>>
        %dma_start3A_114 = tpu.memref_squeeze %dma_start3A_113 : memref<1x1024x16xf32, #tpu.memory_space<vmem>> -> memref<1024x16xf32, #tpu.memory_space<vmem>>
        %dma_start3A_115 = tpu.memref_slice %arg7[%mul3A_110] : memref<10240xi32, #tpu.memory_space<vmem>> -> memref<1024xi32, #tpu.memory_space<vmem>>
        %dma_start3A_116 = arith.constant 0 : i32
        %dma_start3A_117 = arith.constant 0 : i32
        %dma_start3A_118 = tpu.memref_slice %arg11[%dma_start3A_116, %dma_start3A_117] : memref<10000x16xf32, #tpu.memory_space<vmem_shared>> -> memref<10000x16xf32, #tpu.memory_space<vmem_shared>>
        tpu.enqueue_indirect_dma source(%dma_start3A_118 : memref<10000x16xf32, #tpu.memory_space<vmem_shared>>) target(%dma_start3A_114 : memref<1024x16xf32, #tpu.memory_space<vmem>>) offsets(%dma_start3A_115 : memref<1024xi32, #tpu.memory_space<vmem>>) semaphore(%arg12 : memref<!tpu.dma_semaphore, #tpu.memory_space<semaphore_mem>>)
      } else {
      }
    }
    %scan3A_89 = arith.constant 10 : i32
    %barrier3A_90 = arith.constant 0 : index
    tpu.barrier barrier_id(%barrier3A_90)
    "tpu.region"() ({
      %run_scoped3A = tpu.sem_alloc : memref<!tpu.dma_semaphore, #tpu.memory_space<semaphore_mem>>
      %dma_start3A_91 = arith.constant 0 : i32
      %dma_start3A_92 = tpu.memref_slice %arg6[%arg0, %mul3A_2, %dma_start3A_91] : memref<2x10240x16xf32, #tpu.memory_space<hbm>> -> memref<1x640x16xf32, #tpu.memory_space<hbm>>
      %dma_start3A_93 = tpu.memref_squeeze %dma_start3A_92 : memref<1x640x16xf32, #tpu.memory_space<hbm>> -> memref<640x16xf32, #tpu.memory_space<hbm>>
      %dma_start3A_94 = arith.constant 0 : i32
      %dma_start3A_95 = tpu.memref_slice %arg10[%mul3A_2, %dma_start3A_94] : memref<10240x16xf32, #tpu.memory_space<vmem_shared>> -> memref<640x16xf32, #tpu.memory_space<vmem_shared>>
      tpu.enqueue_dma source(%dma_start3A_95 : memref<640x16xf32, #tpu.memory_space<vmem_shared>>) target(%dma_start3A_93 : memref<640x16xf32, #tpu.memory_space<hbm>>) target_semaphore(%run_scoped3A : memref<!tpu.dma_semaphore, #tpu.memory_space<semaphore_mem>>)
      %dma_wait3A_96 = arith.constant 0 : i32
      %dma_wait3A_97 = tpu.memref_slice %arg6[%arg0, %mul3A_2, %dma_wait3A_96] : memref<2x10240x16xf32, #tpu.memory_space<hbm>> -> memref<1x640x16xf32, #tpu.memory_space<hbm>>
      %dma_wait3A_98 = tpu.memref_squeeze %dma_wait3A_97 : memref<1x640x16xf32, #tpu.memory_space<hbm>> -> memref<640x16xf32, #tpu.memory_space<hbm>>
      %dma_wait3A_99 = arith.constant 0 : i32
      %dma_wait3A_100 = tpu.memref_slice %arg10[%mul3A_2, %dma_wait3A_99] : memref<10240x16xf32, #tpu.memory_space<vmem_shared>> -> memref<640x16xf32, #tpu.memory_space<vmem_shared>>
      tpu.wait_dma2 semaphore(%run_scoped3A : memref<!tpu.dma_semaphore, #tpu.memory_space<semaphore_mem>>) src(%dma_wait3A_100 : memref<640x16xf32, #tpu.memory_space<vmem_shared>>) dst(%dma_wait3A_98 : memref<640x16xf32, #tpu.memory_space<hbm>>)
      tpu.yield
    }) : () -> ()
    return
  }
}

#map = affine_map<(d0, d1) -> (0)>
#map1 = affine_map<(d0, d1) -> (0, 0)>
#map2 = affine_map<(d0, d1) -> (0, 0, 0)>
module attributes {stable_mosaic.version = 14 : i64} {
  func.func @_agg_kernel(%arg0: i32, %arg1: i32, %arg2: memref<327680xi32, #tpu.memory_space<hbm>>, %arg3: memref<327680xi32, #tpu.memory_space<hbm>>, %arg4: memref<10000x16xf32, #tpu.memory_space<hbm>>, %arg5: memref<10240x16xf32, #tpu.memory_space<hbm>>, %arg6: memref<2x10240x16xf32, #tpu.memory_space<hbm>>, %arg7: memref<10240xi32, #tpu.memory_space<vmem>>, %arg8: memref<10240xi32, #tpu.memory_space<vmem>>, %arg9: memref<5x1024x16xf32, #tpu.memory_space<vmem>>, %arg10: memref<10240x16xf32, #tpu.memory_space<vmem_shared>>, %arg11: memref<10000x16xf32, #tpu.memory_space<vmem_shared>>, %arg12: memref<!tpu.dma_semaphore, #tpu.memory_space<semaphore_mem>>) attributes {dimension_semantics = [#tpu.dimension_semantics<core_parallel>, #tpu.dimension_semantics<subcore_parallel>], iteration_bounds = array<i64: 2, 16>, scalar_prefetch = 0 : i64, scratch_operands = 6 : i64, tpu.core_type = #tpu.core_type<sc_vector_subcore>, window_params = [{transform_indices = #map}, {transform_indices = #map}, {transform_indices = #map1}, {transform_indices = #map1}, {transform_indices = #map2}]} {
    %mul3A = arith.constant 16 : i32
    %mul3A_0 = arith.muli %arg0, %mul3A : i32
    %add3A = arith.addi %mul3A_0, %arg1 : i32
    %mul3A_1 = arith.constant 640 : i32
    %mul3A_2 = arith.muli %arg1, %mul3A_1 : i32
    %mul3A_3 = arith.constant 625 : i32
    %mul3A_4 = arith.muli %arg1, %mul3A_3 : i32
    %dma_start3A = arith.constant 0 : i32
    %dma_start3A_5 = tpu.memref_slice %arg10[%mul3A_2, %dma_start3A] : memref<10240x16xf32, #tpu.memory_space<vmem_shared>> -> memref<640x16xf32, #tpu.memory_space<vmem_shared>>
    %dma_start3A_6 = arith.constant 0 : i32
    %dma_start3A_7 = tpu.memref_slice %arg5[%mul3A_2, %dma_start3A_6] : memref<10240x16xf32, #tpu.memory_space<hbm>> -> memref<640x16xf32, #tpu.memory_space<hbm>>
    tpu.enqueue_dma source(%dma_start3A_7 : memref<640x16xf32, #tpu.memory_space<hbm>>) target(%dma_start3A_5 : memref<640x16xf32, #tpu.memory_space<vmem_shared>>) target_semaphore(%arg12 : memref<!tpu.dma_semaphore, #tpu.memory_space<semaphore_mem>>)
    %dma_start3A_8 = arith.constant 0 : i32
    %dma_start3A_9 = tpu.memref_slice %arg11[%mul3A_4, %dma_start3A_8] : memref<10000x16xf32, #tpu.memory_space<vmem_shared>> -> memref<625x16xf32, #tpu.memory_space<vmem_shared>>
    %dma_start3A_10 = arith.constant 0 : i32
    %dma_start3A_11 = tpu.memref_slice %arg4[%mul3A_4, %dma_start3A_10] : memref<10000x16xf32, #tpu.memory_space<hbm>> -> memref<625x16xf32, #tpu.memory_space<hbm>>
    tpu.enqueue_dma source(%dma_start3A_11 : memref<625x16xf32, #tpu.memory_space<hbm>>) target(%dma_start3A_9 : memref<625x16xf32, #tpu.memory_space<vmem_shared>>) target_semaphore(%arg12 : memref<!tpu.dma_semaphore, #tpu.memory_space<semaphore_mem>>)
    %mul3A_12 = arith.constant 10240 : i32
    %mul3A_13 = arith.muli %add3A, %mul3A_12 : i32
    %dma_start3A_14 = tpu.memref_slice %arg2[%mul3A_13] : memref<327680xi32, #tpu.memory_space<hbm>> -> memref<10240xi32, #tpu.memory_space<hbm>>
    %dma_start3A_15 = tpu.memref_slice %arg2[%mul3A_13] : memref<327680xi32, #tpu.memory_space<hbm>> -> memref<10240xi32, #tpu.memory_space<hbm>>
    tpu.enqueue_dma source(%dma_start3A_15 : memref<10240xi32, #tpu.memory_space<hbm>>) target(%arg7 : memref<10240xi32, #tpu.memory_space<vmem>>) target_semaphore(%arg12 : memref<!tpu.dma_semaphore, #tpu.memory_space<semaphore_mem>>)
    %mul3A_16 = arith.constant 10240 : i32
    %mul3A_17 = arith.muli %add3A, %mul3A_16 : i32
    %dma_start3A_18 = tpu.memref_slice %arg3[%mul3A_17] : memref<327680xi32, #tpu.memory_space<hbm>> -> memref<10240xi32, #tpu.memory_space<hbm>>
    %dma_start3A_19 = tpu.memref_slice %arg3[%mul3A_17] : memref<327680xi32, #tpu.memory_space<hbm>> -> memref<10240xi32, #tpu.memory_space<hbm>>
    tpu.enqueue_dma source(%dma_start3A_19 : memref<10240xi32, #tpu.memory_space<hbm>>) target(%arg8 : memref<10240xi32, #tpu.memory_space<vmem>>) target_semaphore(%arg12 : memref<!tpu.dma_semaphore, #tpu.memory_space<semaphore_mem>>)
    %dma_wait3A = arith.constant 0 : i32
    %dma_wait3A_20 = tpu.memref_slice %arg10[%mul3A_2, %dma_wait3A] : memref<10240x16xf32, #tpu.memory_space<vmem_shared>> -> memref<640x16xf32, #tpu.memory_space<vmem_shared>>
    %dma_wait3A_21 = arith.constant 0 : i32
    %dma_wait3A_22 = tpu.memref_slice %arg5[%mul3A_2, %dma_wait3A_21] : memref<10240x16xf32, #tpu.memory_space<hbm>> -> memref<640x16xf32, #tpu.memory_space<hbm>>
    tpu.wait_dma2 semaphore(%arg12 : memref<!tpu.dma_semaphore, #tpu.memory_space<semaphore_mem>>) src(%dma_wait3A_22 : memref<640x16xf32, #tpu.memory_space<hbm>>) dst(%dma_wait3A_20 : memref<640x16xf32, #tpu.memory_space<vmem_shared>>)
    %dma_wait3A_23 = arith.constant 0 : i32
    %dma_wait3A_24 = tpu.memref_slice %arg11[%mul3A_4, %dma_wait3A_23] : memref<10000x16xf32, #tpu.memory_space<vmem_shared>> -> memref<625x16xf32, #tpu.memory_space<vmem_shared>>
    %dma_wait3A_25 = arith.constant 0 : i32
    %dma_wait3A_26 = tpu.memref_slice %arg4[%mul3A_4, %dma_wait3A_25] : memref<10000x16xf32, #tpu.memory_space<hbm>> -> memref<625x16xf32, #tpu.memory_space<hbm>>
    tpu.wait_dma2 semaphore(%arg12 : memref<!tpu.dma_semaphore, #tpu.memory_space<semaphore_mem>>) src(%dma_wait3A_26 : memref<625x16xf32, #tpu.memory_space<hbm>>) dst(%dma_wait3A_24 : memref<625x16xf32, #tpu.memory_space<vmem_shared>>)
    %mul3A_27 = arith.constant 10240 : i32
    %mul3A_28 = arith.muli %add3A, %mul3A_27 : i32
    %dma_wait3A_29 = tpu.memref_slice %arg2[%mul3A_28] : memref<327680xi32, #tpu.memory_space<hbm>> -> memref<10240xi32, #tpu.memory_space<hbm>>
    %dma_wait3A_30 = tpu.memref_slice %arg2[%mul3A_28] : memref<327680xi32, #tpu.memory_space<hbm>> -> memref<10240xi32, #tpu.memory_space<hbm>>
    tpu.wait_dma2 semaphore(%arg12 : memref<!tpu.dma_semaphore, #tpu.memory_space<semaphore_mem>>) src(%dma_wait3A_30 : memref<10240xi32, #tpu.memory_space<hbm>>) dst(%arg7 : memref<10240xi32, #tpu.memory_space<vmem>>)
    %mul3A_31 = arith.constant 10240 : i32
    %mul3A_32 = arith.muli %add3A, %mul3A_31 : i32
    %dma_wait3A_33 = tpu.memref_slice %arg3[%mul3A_32] : memref<327680xi32, #tpu.memory_space<hbm>> -> memref<10240xi32, #tpu.memory_space<hbm>>
    %dma_wait3A_34 = tpu.memref_slice %arg3[%mul3A_32] : memref<327680xi32, #tpu.memory_space<hbm>> -> memref<10240xi32, #tpu.memory_space<hbm>>
    tpu.wait_dma2 semaphore(%arg12 : memref<!tpu.dma_semaphore, #tpu.memory_space<semaphore_mem>>) src(%dma_wait3A_34 : memref<10240xi32, #tpu.memory_space<hbm>>) dst(%arg8 : memref<10240xi32, #tpu.memory_space<vmem>>)
    %barrier3A = arith.constant 0 : index
    tpu.barrier barrier_id(%barrier3A)
    %dma_start3A_35 = arith.constant 0 : i32
    %dma_start3A_36 = arith.constant 0 : i32
    %dma_start3A_37 = arith.constant 0 : i32
    %dma_start3A_38 = tpu.memref_slice %arg9[%dma_start3A_35, %dma_start3A_36, %dma_start3A_37] : memref<5x1024x16xf32, #tpu.memory_space<vmem>> -> memref<1x1024x16xf32, #tpu.memory_space<vmem>>
    %dma_start3A_39 = tpu.memref_squeeze %dma_start3A_38 : memref<1x1024x16xf32, #tpu.memory_space<vmem>> -> memref<1024x16xf32, #tpu.memory_space<vmem>>
    %dma_start3A_40 = arith.constant 0 : i32
    %dma_start3A_41 = tpu.memref_slice %arg7[%dma_start3A_40] : memref<10240xi32, #tpu.memory_space<vmem>> -> memref<1024xi32, #tpu.memory_space<vmem>>
    %dma_start3A_42 = arith.constant 0 : i32
    %dma_start3A_43 = arith.constant 0 : i32
    %dma_start3A_44 = tpu.memref_slice %arg11[%dma_start3A_42, %dma_start3A_43] : memref<10000x16xf32, #tpu.memory_space<vmem_shared>> -> memref<10000x16xf32, #tpu.memory_space<vmem_shared>>
    tpu.enqueue_indirect_dma source(%dma_start3A_44 : memref<10000x16xf32, #tpu.memory_space<vmem_shared>>) target(%dma_start3A_39 : memref<1024x16xf32, #tpu.memory_space<vmem>>) offsets(%dma_start3A_41 : memref<1024xi32, #tpu.memory_space<vmem>>) semaphore(%arg12 : memref<!tpu.dma_semaphore, #tpu.memory_space<semaphore_mem>>)
    %dma_start3A_45 = arith.constant 1 : i32
    %dma_start3A_46 = arith.constant 0 : i32
    %dma_start3A_47 = arith.constant 0 : i32
    %dma_start3A_48 = tpu.memref_slice %arg9[%dma_start3A_45, %dma_start3A_46, %dma_start3A_47] : memref<5x1024x16xf32, #tpu.memory_space<vmem>> -> memref<1x1024x16xf32, #tpu.memory_space<vmem>>
    %dma_start3A_49 = tpu.memref_squeeze %dma_start3A_48 : memref<1x1024x16xf32, #tpu.memory_space<vmem>> -> memref<1024x16xf32, #tpu.memory_space<vmem>>
    %dma_start3A_50 = arith.constant 1024 : i32
    %dma_start3A_51 = tpu.memref_slice %arg7[%dma_start3A_50] : memref<10240xi32, #tpu.memory_space<vmem>> -> memref<1024xi32, #tpu.memory_space<vmem>>
    %dma_start3A_52 = arith.constant 0 : i32
    %dma_start3A_53 = arith.constant 0 : i32
    %dma_start3A_54 = tpu.memref_slice %arg11[%dma_start3A_52, %dma_start3A_53] : memref<10000x16xf32, #tpu.memory_space<vmem_shared>> -> memref<10000x16xf32, #tpu.memory_space<vmem_shared>>
    tpu.enqueue_indirect_dma source(%dma_start3A_54 : memref<10000x16xf32, #tpu.memory_space<vmem_shared>>) target(%dma_start3A_49 : memref<1024x16xf32, #tpu.memory_space<vmem>>) offsets(%dma_start3A_51 : memref<1024xi32, #tpu.memory_space<vmem>>) semaphore(%arg12 : memref<!tpu.dma_semaphore, #tpu.memory_space<semaphore_mem>>)
    %dma_start3A_55 = arith.constant 2 : i32
    %dma_start3A_56 = arith.constant 0 : i32
    %dma_start3A_57 = arith.constant 0 : i32
    %dma_start3A_58 = tpu.memref_slice %arg9[%dma_start3A_55, %dma_start3A_56, %dma_start3A_57] : memref<5x1024x16xf32, #tpu.memory_space<vmem>> -> memref<1x1024x16xf32, #tpu.memory_space<vmem>>
    %dma_start3A_59 = tpu.memref_squeeze %dma_start3A_58 : memref<1x1024x16xf32, #tpu.memory_space<vmem>> -> memref<1024x16xf32, #tpu.memory_space<vmem>>
    %dma_start3A_60 = arith.constant 2048 : i32
    %dma_start3A_61 = tpu.memref_slice %arg7[%dma_start3A_60] : memref<10240xi32, #tpu.memory_space<vmem>> -> memref<1024xi32, #tpu.memory_space<vmem>>
    %dma_start3A_62 = arith.constant 0 : i32
    %dma_start3A_63 = arith.constant 0 : i32
    %dma_start3A_64 = tpu.memref_slice %arg11[%dma_start3A_62, %dma_start3A_63] : memref<10000x16xf32, #tpu.memory_space<vmem_shared>> -> memref<10000x16xf32, #tpu.memory_space<vmem_shared>>
    tpu.enqueue_indirect_dma source(%dma_start3A_64 : memref<10000x16xf32, #tpu.memory_space<vmem_shared>>) target(%dma_start3A_59 : memref<1024x16xf32, #tpu.memory_space<vmem>>) offsets(%dma_start3A_61 : memref<1024xi32, #tpu.memory_space<vmem>>) semaphore(%arg12 : memref<!tpu.dma_semaphore, #tpu.memory_space<semaphore_mem>>)
    %dma_start3A_65 = arith.constant 3 : i32
    %dma_start3A_66 = arith.constant 0 : i32
    %dma_start3A_67 = arith.constant 0 : i32
    %dma_start3A_68 = tpu.memref_slice %arg9[%dma_start3A_65, %dma_start3A_66, %dma_start3A_67] : memref<5x1024x16xf32, #tpu.memory_space<vmem>> -> memref<1x1024x16xf32, #tpu.memory_space<vmem>>
    %dma_start3A_69 = tpu.memref_squeeze %dma_start3A_68 : memref<1x1024x16xf32, #tpu.memory_space<vmem>> -> memref<1024x16xf32, #tpu.memory_space<vmem>>
    %dma_start3A_70 = arith.constant 3072 : i32
    %dma_start3A_71 = tpu.memref_slice %arg7[%dma_start3A_70] : memref<10240xi32, #tpu.memory_space<vmem>> -> memref<1024xi32, #tpu.memory_space<vmem>>
    %dma_start3A_72 = arith.constant 0 : i32
    %dma_start3A_73 = arith.constant 0 : i32
    %dma_start3A_74 = tpu.memref_slice %arg11[%dma_start3A_72, %dma_start3A_73] : memref<10000x16xf32, #tpu.memory_space<vmem_shared>> -> memref<10000x16xf32, #tpu.memory_space<vmem_shared>>
    tpu.enqueue_indirect_dma source(%dma_start3A_74 : memref<10000x16xf32, #tpu.memory_space<vmem_shared>>) target(%dma_start3A_69 : memref<1024x16xf32, #tpu.memory_space<vmem>>) offsets(%dma_start3A_71 : memref<1024xi32, #tpu.memory_space<vmem>>) semaphore(%arg12 : memref<!tpu.dma_semaphore, #tpu.memory_space<semaphore_mem>>)
    %dma_start3A_75 = arith.constant 4 : i32
    %dma_start3A_76 = arith.constant 0 : i32
    %dma_start3A_77 = arith.constant 0 : i32
    %dma_start3A_78 = tpu.memref_slice %arg9[%dma_start3A_75, %dma_start3A_76, %dma_start3A_77] : memref<5x1024x16xf32, #tpu.memory_space<vmem>> -> memref<1x1024x16xf32, #tpu.memory_space<vmem>>
    %dma_start3A_79 = tpu.memref_squeeze %dma_start3A_78 : memref<1x1024x16xf32, #tpu.memory_space<vmem>> -> memref<1024x16xf32, #tpu.memory_space<vmem>>
    %dma_start3A_80 = arith.constant 4096 : i32
    %dma_start3A_81 = tpu.memref_slice %arg7[%dma_start3A_80] : memref<10240xi32, #tpu.memory_space<vmem>> -> memref<1024xi32, #tpu.memory_space<vmem>>
    %dma_start3A_82 = arith.constant 0 : i32
    %dma_start3A_83 = arith.constant 0 : i32
    %dma_start3A_84 = tpu.memref_slice %arg11[%dma_start3A_82, %dma_start3A_83] : memref<10000x16xf32, #tpu.memory_space<vmem_shared>> -> memref<10000x16xf32, #tpu.memory_space<vmem_shared>>
    tpu.enqueue_indirect_dma source(%dma_start3A_84 : memref<10000x16xf32, #tpu.memory_space<vmem_shared>>) target(%dma_start3A_79 : memref<1024x16xf32, #tpu.memory_space<vmem>>) offsets(%dma_start3A_81 : memref<1024xi32, #tpu.memory_space<vmem>>) semaphore(%arg12 : memref<!tpu.dma_semaphore, #tpu.memory_space<semaphore_mem>>)
    %scan3A = arith.constant 0 : i32
    %scan3A_85 = arith.constant 0 : i32
    %scan3A_86 = arith.constant 10 : i32
    %scan3A_87 = arith.addi %scan3A_85, %scan3A_86 : i32
    %scan3A_88 = arith.constant 1 : i32
    scf.for %scan3A_91 = %scan3A_85 to %scan3A_87 step %scan3A_88  : i32 {
      %rem3A = arith.constant 5 : i32
      %rem3A_92 = arith.remsi %scan3A_91, %rem3A : i32
      %dma_wait3A_93 = arith.constant 0 : i32
      %dma_wait3A_94 = arith.constant 0 : i32
      %dma_wait3A_95 = arith.constant 0 : i32
      %dma_wait3A_96 = tpu.memref_slice %arg9[%dma_wait3A_93, %dma_wait3A_94, %dma_wait3A_95] : memref<5x1024x16xf32, #tpu.memory_space<vmem>> -> memref<1x1024x16xf32, #tpu.memory_space<vmem>>
      %dma_wait3A_97 = tpu.memref_squeeze %dma_wait3A_96 : memref<1x1024x16xf32, #tpu.memory_space<vmem>> -> memref<1024x16xf32, #tpu.memory_space<vmem>>
      %dma_wait3A_98 = arith.constant 0 : i32
      %dma_wait3A_99 = tpu.memref_slice %arg7[%dma_wait3A_98] : memref<10240xi32, #tpu.memory_space<vmem>> -> memref<1024xi32, #tpu.memory_space<vmem>>
      %dma_wait3A_100 = arith.constant 0 : i32
      %dma_wait3A_101 = arith.constant 0 : i32
      %dma_wait3A_102 = tpu.memref_slice %arg11[%dma_wait3A_100, %dma_wait3A_101] : memref<10000x16xf32, #tpu.memory_space<vmem_shared>> -> memref<10000x16xf32, #tpu.memory_space<vmem_shared>>
      tpu.wait_indirect_dma semaphore(%arg12 : memref<!tpu.dma_semaphore, #tpu.memory_space<semaphore_mem>>) src(%dma_wait3A_102 : memref<10000x16xf32, #tpu.memory_space<vmem_shared>>) dst(%dma_wait3A_97 : memref<1024x16xf32, #tpu.memory_space<vmem>>)
      %mul3A_103 = arith.constant 1024 : i32
      %mul3A_104 = arith.muli %scan3A_91, %mul3A_103 : i32
      "tpu.region"() ({
        %run_scoped3A = tpu.sem_alloc : memref<!tpu.dma_semaphore, #tpu.memory_space<semaphore_mem>>
        %dma_start3A_109 = arith.constant 0 : i32
        %dma_start3A_110 = arith.constant 0 : i32
        %dma_start3A_111 = tpu.memref_slice %arg9[%rem3A_92, %dma_start3A_109, %dma_start3A_110] : memref<5x1024x16xf32, #tpu.memory_space<vmem>> -> memref<1x1024x16xf32, #tpu.memory_space<vmem>>
        %dma_start3A_112 = tpu.memref_squeeze %dma_start3A_111 : memref<1x1024x16xf32, #tpu.memory_space<vmem>> -> memref<1024x16xf32, #tpu.memory_space<vmem>>
        %dma_start3A_113 = tpu.memref_slice %arg8[%mul3A_104] : memref<10240xi32, #tpu.memory_space<vmem>> -> memref<1024xi32, #tpu.memory_space<vmem>>
        %dma_start3A_114 = arith.constant 0 : i32
        %dma_start3A_115 = arith.constant 0 : i32
        %dma_start3A_116 = tpu.memref_slice %arg10[%dma_start3A_114, %dma_start3A_115] : memref<10240x16xf32, #tpu.memory_space<vmem_shared>> -> memref<10240x16xf32, #tpu.memory_space<vmem_shared>>
        tpu.enqueue_indirect_dma source(%dma_start3A_112 : memref<1024x16xf32, #tpu.memory_space<vmem>>) target(%dma_start3A_116 : memref<10240x16xf32, #tpu.memory_space<vmem_shared>>) offsets(%dma_start3A_113 : memref<1024xi32, #tpu.memory_space<vmem>>) semaphore(%run_scoped3A : memref<!tpu.dma_semaphore, #tpu.memory_space<semaphore_mem>>) {add = true}
        %dma_wait3A_117 = arith.constant 0 : i32
        %dma_wait3A_118 = arith.constant 0 : i32
        %dma_wait3A_119 = tpu.memref_slice %arg9[%rem3A_92, %dma_wait3A_117, %dma_wait3A_118] : memref<5x1024x16xf32, #tpu.memory_space<vmem>> -> memref<1x1024x16xf32, #tpu.memory_space<vmem>>
        %dma_wait3A_120 = tpu.memref_squeeze %dma_wait3A_119 : memref<1x1024x16xf32, #tpu.memory_space<vmem>> -> memref<1024x16xf32, #tpu.memory_space<vmem>>
        %dma_wait3A_121 = tpu.memref_slice %arg8[%mul3A_104] : memref<10240xi32, #tpu.memory_space<vmem>> -> memref<1024xi32, #tpu.memory_space<vmem>>
        %dma_wait3A_122 = arith.constant 0 : i32
        %dma_wait3A_123 = arith.constant 0 : i32
        %dma_wait3A_124 = tpu.memref_slice %arg10[%dma_wait3A_122, %dma_wait3A_123] : memref<10240x16xf32, #tpu.memory_space<vmem_shared>> -> memref<10240x16xf32, #tpu.memory_space<vmem_shared>>
        tpu.wait_indirect_dma semaphore(%run_scoped3A : memref<!tpu.dma_semaphore, #tpu.memory_space<semaphore_mem>>) src(%dma_wait3A_120 : memref<1024x16xf32, #tpu.memory_space<vmem>>) dst(%dma_wait3A_124 : memref<10240x16xf32, #tpu.memory_space<vmem_shared>>)
        tpu.yield
      }) : () -> ()
      %add3A_105 = arith.constant 5 : i32
      %add3A_106 = arith.addi %scan3A_91, %add3A_105 : i32
      %lt3A = arith.constant 10 : i32
      %lt3A_107 = arith.cmpi slt, %add3A_106, %lt3A : i32
      %convert_element_type3A = arith.extui %lt3A_107 : i1 to i32
      %cond3A = arith.constant 0 : i32
      %cond3A_108 = arith.cmpi ne, %convert_element_type3A, %cond3A : i32
      scf.if %cond3A_108 {
        %mul3A_109 = arith.constant 1024 : i32
        %mul3A_110 = arith.muli %add3A_106, %mul3A_109 : i32
        %dma_start3A_111 = arith.constant 0 : i32
        %dma_start3A_112 = arith.constant 0 : i32
        %dma_start3A_113 = tpu.memref_slice %arg9[%rem3A_92, %dma_start3A_111, %dma_start3A_112] : memref<5x1024x16xf32, #tpu.memory_space<vmem>> -> memref<1x1024x16xf32, #tpu.memory_space<vmem>>
        %dma_start3A_114 = tpu.memref_squeeze %dma_start3A_113 : memref<1x1024x16xf32, #tpu.memory_space<vmem>> -> memref<1024x16xf32, #tpu.memory_space<vmem>>
        %dma_start3A_115 = tpu.memref_slice %arg7[%mul3A_110] : memref<10240xi32, #tpu.memory_space<vmem>> -> memref<1024xi32, #tpu.memory_space<vmem>>
        %dma_start3A_116 = arith.constant 0 : i32
        %dma_start3A_117 = arith.constant 0 : i32
        %dma_start3A_118 = tpu.memref_slice %arg11[%dma_start3A_116, %dma_start3A_117] : memref<10000x16xf32, #tpu.memory_space<vmem_shared>> -> memref<10000x16xf32, #tpu.memory_space<vmem_shared>>
        tpu.enqueue_indirect_dma source(%dma_start3A_118 : memref<10000x16xf32, #tpu.memory_space<vmem_shared>>) target(%dma_start3A_114 : memref<1024x16xf32, #tpu.memory_space<vmem>>) offsets(%dma_start3A_115 : memref<1024xi32, #tpu.memory_space<vmem>>) semaphore(%arg12 : memref<!tpu.dma_semaphore, #tpu.memory_space<semaphore_mem>>)
      } else {
      }
    }
    %scan3A_89 = arith.constant 10 : i32
    %barrier3A_90 = arith.constant 0 : index
    tpu.barrier barrier_id(%barrier3A_90)
    "tpu.region"() ({
      %run_scoped3A = tpu.sem_alloc : memref<!tpu.dma_semaphore, #tpu.memory_space<semaphore_mem>>
      %dma_start3A_91 = arith.constant 0 : i32
      %dma_start3A_92 = tpu.memref_slice %arg6[%arg0, %mul3A_2, %dma_start3A_91] : memref<2x10240x16xf32, #tpu.memory_space<hbm>> -> memref<1x640x16xf32, #tpu.memory_space<hbm>>
      %dma_start3A_93 = tpu.memref_squeeze %dma_start3A_92 : memref<1x640x16xf32, #tpu.memory_space<hbm>> -> memref<640x16xf32, #tpu.memory_space<hbm>>
      %dma_start3A_94 = arith.constant 0 : i32
      %dma_start3A_95 = tpu.memref_slice %arg10[%mul3A_2, %dma_start3A_94] : memref<10240x16xf32, #tpu.memory_space<vmem_shared>> -> memref<640x16xf32, #tpu.memory_space<vmem_shared>>
      tpu.enqueue_dma source(%dma_start3A_95 : memref<640x16xf32, #tpu.memory_space<vmem_shared>>) target(%dma_start3A_93 : memref<640x16xf32, #tpu.memory_space<hbm>>) target_semaphore(%run_scoped3A : memref<!tpu.dma_semaphore, #tpu.memory_space<semaphore_mem>>)
      %dma_wait3A_96 = arith.constant 0 : i32
      %dma_wait3A_97 = tpu.memref_slice %arg6[%arg0, %mul3A_2, %dma_wait3A_96] : memref<2x10240x16xf32, #tpu.memory_space<hbm>> -> memref<1x640x16xf32, #tpu.memory_space<hbm>>
      %dma_wait3A_98 = tpu.memref_squeeze %dma_wait3A_97 : memref<1x640x16xf32, #tpu.memory_space<hbm>> -> memref<640x16xf32, #tpu.memory_space<hbm>>
      %dma_wait3A_99 = arith.constant 0 : i32
      %dma_wait3A_100 = tpu.memref_slice %arg10[%mul3A_2, %dma_wait3A_99] : memref<10240x16xf32, #tpu.memory_space<vmem_shared>> -> memref<640x16xf32, #tpu.memory_space<vmem_shared>>
      tpu.wait_dma2 semaphore(%run_scoped3A : memref<!tpu.dma_semaphore, #tpu.memory_space<semaphore_mem>>) src(%dma_wait3A_100 : memref<640x16xf32, #tpu.memory_space<vmem_shared>>) dst(%dma_wait3A_98 : memref<640x16xf32, #tpu.memory_space<hbm>>)
      tpu.yield
    }) : () -> ()
    return
  }
}

module attributes {stable_mosaic.version = 14 : i64} {
  func.func @_l1_body(%arg0: i32, %arg1: memref<1024x128xf32, #tpu.memory_space<vmem>>, %arg2: memref<128x16xf32, #tpu.memory_space<vmem>>, %arg3: memref<10240xf32, #tpu.memory_space<vmem>>, %arg4: memref<10240xf32, #tpu.memory_space<vmem>>, %arg5: memref<1024x16xf32, #tpu.memory_space<vmem>>) attributes {dimension_semantics = [#tpu.dimension_semantics<arbitrary>], iteration_bounds = array<i64: 10>, scalar_prefetch = 0 : i64, scratch_operands = 0 : i64, tpu.core_type = #tpu.core_type<tc>, window_params = [{transform_indices = @transform_0, window_bounds = array<i64: 1024, 128>}, {pipeline_mode = #tpu.pipeline_mode<synchronous>, transform_indices = @transform_1, window_bounds = array<i64: 128, 16>}, {pipeline_mode = #tpu.pipeline_mode<synchronous>, transform_indices = @transform_2, window_bounds = array<i64: 10240>}, {pipeline_mode = #tpu.pipeline_mode<synchronous>, transform_indices = @transform_3, window_bounds = array<i64: 10240>}, {transform_indices = @transform_4, window_bounds = array<i64: 1024, 16>}]} {
    %get3A = arith.constant 0 : index
    %get3A_0 = arith.constant 0 : index
    %get3A_1 = vector.load %arg1[%get3A, %get3A_0] : memref<1024x128xf32, #tpu.memory_space<vmem>>, vector<1024x128xf32>
    %get3A_2 = arith.constant 0 : index
    %get3A_3 = arith.constant 0 : index
    %get3A_4 = vector.load %arg2[%get3A_2, %get3A_3] : memref<128x16xf32, #tpu.memory_space<vmem>>, vector<128x16xf32>
    %dot_general3A = arith.constant dense<0.000000e+00> : vector<1024x16xf32>
    %dot_general3A_5 = tpu.matmul %get3A_1, %get3A_4, %dot_general3A {dimension_numbers = #tpu.dot_dimension_numbers<[1], [0], [0], [1], [0, 0, 1, 1], [], []>, transpose_lhs_hint = false} : vector<1024x128xf32>, vector<128x16xf32>, vector<1024x16xf32> -> vector<1024x16xf32>
    %mul3A = arith.constant 1024 : i32
    %mul3A_6 = arith.muli %arg0, %mul3A : i32
    %get3A_7 = arith.index_cast %mul3A_6 : i32 to index
    %get3A_8 = vector.load %arg3[%get3A_7] : memref<10240xf32, #tpu.memory_space<vmem>>, vector<1024xf32>
    %mul3A_9 = arith.constant 1024 : i32
    %mul3A_10 = arith.muli %arg0, %mul3A_9 : i32
    %get3A_11 = arith.index_cast %mul3A_10 : i32 to index
    %get3A_12 = vector.load %arg4[%get3A_11] : memref<10240xf32, #tpu.memory_space<vmem>>, vector<1024xf32>
    %add3A = arith.addf %get3A_8, %get3A_12 : vector<1024xf32>
    %add3A_13 = arith.constant 1.000000e+00 : f32
    %add3A_14 = vector.broadcast %add3A_13 : f32 to vector<1024xf32>
    %add3A_15 = arith.addf %add3A, %add3A_14 : vector<1024xf32>
    %rsqrt3A = math.rsqrt %add3A_15 : vector<1024xf32>
    %broadcast_in_dim3A = vector.shape_cast %rsqrt3A : vector<1024xf32> to vector<1024x1xf32>
    %mul3A_16 = vector.broadcast %broadcast_in_dim3A : vector<1024x1xf32> to vector<1024x16xf32>
    %mul3A_17 = arith.mulf %dot_general3A_5, %mul3A_16 : vector<1024x16xf32>
    %swap3A = arith.constant 0 : index
    %swap3A_18 = arith.constant 0 : index
    %swap3A_19 = vector.load %arg5[%swap3A, %swap3A_18] : memref<1024x16xf32, #tpu.memory_space<vmem>>, vector<1024x16xf32>
    tpu.vector_store %arg5[%swap3A, %swap3A_18], %mul3A_17 {strides = array<i32>} : memref<1024x16xf32, #tpu.memory_space<vmem>>, vector<1024x16xf32>,
    return
  }
  func.func @transform_0(%arg0: i32) -> (i32, i32) {
    %c0_i32 = arith.constant 0 : i32
    %c0_i32_0 = arith.constant 0 : i32
    return %arg0, %c0_i32 : i32, i32
  }
  func.func @transform_1(%arg0: i32) -> (i32, i32) {
    %c0_i32 = arith.constant 0 : i32
    %c0_i32_0 = arith.constant 0 : i32
    %c0_i32_1 = arith.constant 0 : i32
    return %c0_i32, %c0_i32_0 : i32, i32
  }
  func.func @transform_2(%arg0: i32) -> i32 {
    %c0_i32 = arith.constant 0 : i32
    %c0_i32_0 = arith.constant 0 : i32
    return %c0_i32 : i32
  }
  func.func @transform_3(%arg0: i32) -> i32 {
    %c0_i32 = arith.constant 0 : i32
    %c0_i32_0 = arith.constant 0 : i32
    return %c0_i32 : i32
  }
  func.func @transform_4(%arg0: i32) -> (i32, i32) {
    %c0_i32 = arith.constant 0 : i32
    %c0_i32_0 = arith.constant 0 : i32
    return %arg0, %c0_i32 : i32, i32
  }
}

module attributes {stable_mosaic.version = 14 : i64} {
  func.func @_l2_body(%arg0: i32, %arg1: memref<2x1024x16xf32, #tpu.memory_space<vmem>>, %arg2: memref<1024x16xf32, #tpu.memory_space<vmem>>, %arg3: memref<10240xf32, #tpu.memory_space<vmem>>, %arg4: memref<10240xf32, #tpu.memory_space<vmem>>, %arg5: memref<16x16xf32, #tpu.memory_space<vmem>>, %arg6: memref<1x16xf32, #tpu.memory_space<vmem>>, %arg7: memref<1024x16xf32, #tpu.memory_space<vmem>>) attributes {dimension_semantics = [#tpu.dimension_semantics<arbitrary>], iteration_bounds = array<i64: 10>, scalar_prefetch = 0 : i64, scratch_operands = 0 : i64, tpu.core_type = #tpu.core_type<tc>, window_params = [{transform_indices = @transform_0, window_bounds = array<i64: 2, 1024, 16>}, {transform_indices = @transform_1, window_bounds = array<i64: 1024, 16>}, {pipeline_mode = #tpu.pipeline_mode<synchronous>, transform_indices = @transform_2, window_bounds = array<i64: 10240>}, {pipeline_mode = #tpu.pipeline_mode<synchronous>, transform_indices = @transform_3, window_bounds = array<i64: 10240>}, {pipeline_mode = #tpu.pipeline_mode<synchronous>, transform_indices = @transform_4, window_bounds = array<i64: 16, 16>}, {pipeline_mode = #tpu.pipeline_mode<synchronous>, transform_indices = @transform_5, window_bounds = array<i64: 1, 16>}, {transform_indices = @transform_6, window_bounds = array<i64: 1024, 16>}]} {
    %mul3A = arith.constant 1024 : i32
    %mul3A_0 = arith.muli %arg0, %mul3A : i32
    %get3A = arith.index_cast %mul3A_0 : i32 to index
    %get3A_1 = vector.load %arg3[%get3A] : memref<10240xf32, #tpu.memory_space<vmem>>, vector<1024xf32>
    %mul3A_2 = arith.constant 1024 : i32
    %mul3A_3 = arith.muli %arg0, %mul3A_2 : i32
    %get3A_4 = arith.index_cast %mul3A_3 : i32 to index
    %get3A_5 = vector.load %arg4[%get3A_4] : memref<10240xf32, #tpu.memory_space<vmem>>, vector<1024xf32>
    %add3A = arith.addf %get3A_1, %get3A_5 : vector<1024xf32>
    %add3A_6 = arith.constant 1.000000e+00 : f32
    %add3A_7 = vector.broadcast %add3A_6 : f32 to vector<1024xf32>
    %add3A_8 = arith.addf %add3A, %add3A_7 : vector<1024xf32>
    %rsqrt3A = math.rsqrt %add3A_8 : vector<1024xf32>
    %broadcast_in_dim3A = vector.shape_cast %rsqrt3A : vector<1024xf32> to vector<1024x1xf32>
    %get3A_9 = arith.constant 0 : index
    %get3A_10 = arith.constant 0 : index
    %get3A_11 = arith.constant 0 : index
    %get3A_12 = vector.load %arg1[%get3A_9, %get3A_10, %get3A_11] : memref<2x1024x16xf32, #tpu.memory_space<vmem>>, vector<1x1024x16xf32>
    %get3A_13 = vector.shape_cast %get3A_12 : vector<1x1024x16xf32> to vector<1024x16xf32>
    %get3A_14 = arith.constant 1 : index
    %get3A_15 = arith.constant 0 : index
    %get3A_16 = arith.constant 0 : index
    %get3A_17 = vector.load %arg1[%get3A_14, %get3A_15, %get3A_16] : memref<2x1024x16xf32, #tpu.memory_space<vmem>>, vector<1x1024x16xf32>
    %get3A_18 = vector.shape_cast %get3A_17 : vector<1x1024x16xf32> to vector<1024x16xf32>
    %add3A_19 = arith.addf %get3A_13, %get3A_18 : vector<1024x16xf32>
    %get3A_20 = arith.constant 0 : index
    %get3A_21 = arith.constant 0 : index
    %get3A_22 = vector.load %arg2[%get3A_20, %get3A_21] : memref<1024x16xf32, #tpu.memory_space<vmem>>, vector<1024x16xf32>
    %add3A_23 = arith.addf %add3A_19, %get3A_22 : vector<1024x16xf32>
    %mul3A_24 = vector.broadcast %broadcast_in_dim3A : vector<1024x1xf32> to vector<1024x16xf32>
    %mul3A_25 = arith.mulf %add3A_23, %mul3A_24 : vector<1024x16xf32>
    %get3A_26 = arith.constant 0 : index
    %get3A_27 = arith.constant 0 : index
    %get3A_28 = vector.load %arg6[%get3A_26, %get3A_27] : memref<1x16xf32, #tpu.memory_space<vmem>>, vector<1x16xf32>
    %add3A_29 = vector.broadcast %get3A_28 : vector<1x16xf32> to vector<1024x16xf32>
    %add3A_30 = arith.addf %mul3A_25, %add3A_29 : vector<1024x16xf32>
    %max3A = arith.constant 0.000000e+00 : f32
    %max3A_31 = vector.broadcast %max3A : f32 to vector<1024x16xf32>
    %max3A_32 = arith.maximumf %add3A_30, %max3A_31 : vector<1024x16xf32>
    %get3A_33 = arith.constant 0 : index
    %get3A_34 = arith.constant 0 : index
    %get3A_35 = vector.load %arg5[%get3A_33, %get3A_34] : memref<16x16xf32, #tpu.memory_space<vmem>>, vector<16x16xf32>
    %dot_general3A = arith.constant dense<0.000000e+00> : vector<1024x16xf32>
    %dot_general3A_36 = tpu.matmul %max3A_32, %get3A_35, %dot_general3A {dimension_numbers = #tpu.dot_dimension_numbers<[1], [0], [0], [1], [0, 0, 1, 1], [], []>, transpose_lhs_hint = false} : vector<1024x16xf32>, vector<16x16xf32>, vector<1024x16xf32> -> vector<1024x16xf32>
    %mul3A_37 = vector.broadcast %broadcast_in_dim3A : vector<1024x1xf32> to vector<1024x16xf32>
    %mul3A_38 = arith.mulf %dot_general3A_36, %mul3A_37 : vector<1024x16xf32>
    %swap3A = arith.constant 0 : index
    %swap3A_39 = arith.constant 0 : index
    %swap3A_40 = vector.load %arg7[%swap3A, %swap3A_39] : memref<1024x16xf32, #tpu.memory_space<vmem>>, vector<1024x16xf32>
    tpu.vector_store %arg7[%swap3A, %swap3A_39], %mul3A_38 {strides = array<i32>} : memref<1024x16xf32, #tpu.memory_space<vmem>>, vector<1024x16xf32>,
    return
  }
  func.func @transform_0(%arg0: i32) -> (i32, i32, i32) {
    %c0_i32 = arith.constant 0 : i32
    %c0_i32_0 = arith.constant 0 : i32
    %c0_i32_1 = arith.constant 0 : i32
    return %c0_i32, %arg0, %c0_i32_0 : i32, i32, i32
  }
  func.func @transform_1(%arg0: i32) -> (i32, i32) {
    %c0_i32 = arith.constant 0 : i32
    %c0_i32_0 = arith.constant 0 : i32
    return %arg0, %c0_i32 : i32, i32
  }
  func.func @transform_2(%arg0: i32) -> i32 {
    %c0_i32 = arith.constant 0 : i32
    %c0_i32_0 = arith.constant 0 : i32
    return %c0_i32 : i32
  }
  func.func @transform_3(%arg0: i32) -> i32 {
    %c0_i32 = arith.constant 0 : i32
    %c0_i32_0 = arith.constant 0 : i32
    return %c0_i32 : i32
  }
  func.func @transform_4(%arg0: i32) -> (i32, i32) {
    %c0_i32 = arith.constant 0 : i32
    %c0_i32_0 = arith.constant 0 : i32
    %c0_i32_1 = arith.constant 0 : i32
    return %c0_i32, %c0_i32_0 : i32, i32
  }
  func.func @transform_5(%arg0: i32) -> (i32, i32) {
    %c0_i32 = arith.constant 0 : i32
    %c0_i32_0 = arith.constant 0 : i32
    %c0_i32_1 = arith.constant 0 : i32
    return %c0_i32, %c0_i32_0 : i32, i32
  }
  func.func @transform_6(%arg0: i32) -> (i32, i32) {
    %c0_i32 = arith.constant 0 : i32
    %c0_i32_0 = arith.constant 0 : i32
    return %arg0, %c0_i32 : i32, i32
  }
}

module attributes {stable_mosaic.version = 14 : i64} {
  func.func @_fin_body(%arg0: i32, %arg1: memref<2x1024x16xf32, #tpu.memory_space<vmem>>, %arg2: memref<1024x16xf32, #tpu.memory_space<vmem>>, %arg3: memref<10240xf32, #tpu.memory_space<vmem>>, %arg4: memref<10240xf32, #tpu.memory_space<vmem>>, %arg5: memref<1x16xf32, #tpu.memory_space<vmem>>, %arg6: memref<1024x16xf32, #tpu.memory_space<vmem>>) attributes {dimension_semantics = [#tpu.dimension_semantics<arbitrary>], iteration_bounds = array<i64: 10>, scalar_prefetch = 0 : i64, scratch_operands = 0 : i64, tpu.core_type = #tpu.core_type<tc>, window_params = [{transform_indices = @transform_0, window_bounds = array<i64: 2, 1024, 16>}, {transform_indices = @transform_1, window_bounds = array<i64: 1024, 16>}, {pipeline_mode = #tpu.pipeline_mode<synchronous>, transform_indices = @transform_2, window_bounds = array<i64: 10240>}, {pipeline_mode = #tpu.pipeline_mode<synchronous>, transform_indices = @transform_3, window_bounds = array<i64: 10240>}, {pipeline_mode = #tpu.pipeline_mode<synchronous>, transform_indices = @transform_4, window_bounds = array<i64: 1, 16>}, {transform_indices = @transform_5, window_bounds = array<i64: 1024, 16>}]} {
    %mul3A = arith.constant 1024 : i32
    %mul3A_0 = arith.muli %arg0, %mul3A : i32
    %get3A = arith.index_cast %mul3A_0 : i32 to index
    %get3A_1 = vector.load %arg3[%get3A] : memref<10240xf32, #tpu.memory_space<vmem>>, vector<1024xf32>
    %mul3A_2 = arith.constant 1024 : i32
    %mul3A_3 = arith.muli %arg0, %mul3A_2 : i32
    %get3A_4 = arith.index_cast %mul3A_3 : i32 to index
    %get3A_5 = vector.load %arg4[%get3A_4] : memref<10240xf32, #tpu.memory_space<vmem>>, vector<1024xf32>
    %add3A = arith.addf %get3A_1, %get3A_5 : vector<1024xf32>
    %add3A_6 = arith.constant 1.000000e+00 : f32
    %add3A_7 = vector.broadcast %add3A_6 : f32 to vector<1024xf32>
    %add3A_8 = arith.addf %add3A, %add3A_7 : vector<1024xf32>
    %rsqrt3A = math.rsqrt %add3A_8 : vector<1024xf32>
    %broadcast_in_dim3A = vector.shape_cast %rsqrt3A : vector<1024xf32> to vector<1024x1xf32>
    %get3A_9 = arith.constant 0 : index
    %get3A_10 = arith.constant 0 : index
    %get3A_11 = arith.constant 0 : index
    %get3A_12 = vector.load %arg1[%get3A_9, %get3A_10, %get3A_11] : memref<2x1024x16xf32, #tpu.memory_space<vmem>>, vector<1x1024x16xf32>
    %get3A_13 = vector.shape_cast %get3A_12 : vector<1x1024x16xf32> to vector<1024x16xf32>
    %get3A_14 = arith.constant 1 : index
    %get3A_15 = arith.constant 0 : index
    %get3A_16 = arith.constant 0 : index
    %get3A_17 = vector.load %arg1[%get3A_14, %get3A_15, %get3A_16] : memref<2x1024x16xf32, #tpu.memory_space<vmem>>, vector<1x1024x16xf32>
    %get3A_18 = vector.shape_cast %get3A_17 : vector<1x1024x16xf32> to vector<1024x16xf32>
    %add3A_19 = arith.addf %get3A_13, %get3A_18 : vector<1024x16xf32>
    %get3A_20 = arith.constant 0 : index
    %get3A_21 = arith.constant 0 : index
    %get3A_22 = vector.load %arg2[%get3A_20, %get3A_21] : memref<1024x16xf32, #tpu.memory_space<vmem>>, vector<1024x16xf32>
    %add3A_23 = arith.addf %add3A_19, %get3A_22 : vector<1024x16xf32>
    %mul3A_24 = vector.broadcast %broadcast_in_dim3A : vector<1024x1xf32> to vector<1024x16xf32>
    %mul3A_25 = arith.mulf %add3A_23, %mul3A_24 : vector<1024x16xf32>
    %get3A_26 = arith.constant 0 : index
    %get3A_27 = arith.constant 0 : index
    %get3A_28 = vector.load %arg5[%get3A_26, %get3A_27] : memref<1x16xf32, #tpu.memory_space<vmem>>, vector<1x16xf32>
    %add3A_29 = vector.broadcast %get3A_28 : vector<1x16xf32> to vector<1024x16xf32>
    %add3A_30 = arith.addf %mul3A_25, %add3A_29 : vector<1024x16xf32>
    %reduce_max3A = arith.constant dense<0xFF800000> : vector<1024xf32>
    %reduce_max3A_31 = vector.multi_reduction <maximumf>, %add3A_30, %reduce_max3A [1] : vector<1024x16xf32> to vector<1024xf32>
    %broadcast_in_dim3A_32 = vector.shape_cast %reduce_max3A_31 : vector<1024xf32> to vector<1024x1xf32>
    %sub3A = vector.broadcast %broadcast_in_dim3A_32 : vector<1024x1xf32> to vector<1024x16xf32>
    %sub3A_33 = arith.subf %add3A_30, %sub3A : vector<1024x16xf32>
    %exp3A = math.exp %sub3A_33 : vector<1024x16xf32>
    %reduce_sum3A = arith.constant dense<0.000000e+00> : vector<1024xf32>
    %reduce_sum3A_34 = vector.multi_reduction <add>, %exp3A, %reduce_sum3A [1] : vector<1024x16xf32> to vector<1024xf32>
    %broadcast_in_dim3A_35 = vector.shape_cast %reduce_sum3A_34 : vector<1024xf32> to vector<1024x1xf32>
    %log3A = math.log %broadcast_in_dim3A_35 : vector<1024x1xf32>
    %add3A_36 = arith.addf %log3A, %broadcast_in_dim3A_32 : vector<1024x1xf32>
    %sub3A_37 = vector.broadcast %add3A_36 : vector<1024x1xf32> to vector<1024x16xf32>
    %sub3A_38 = arith.subf %add3A_30, %sub3A_37 : vector<1024x16xf32>
    %swap3A = arith.constant 0 : index
    %swap3A_39 = arith.constant 0 : index
    %swap3A_40 = vector.load %arg6[%swap3A, %swap3A_39] : memref<1024x16xf32, #tpu.memory_space<vmem>>, vector<1024x16xf32>
    tpu.vector_store %arg6[%swap3A, %swap3A_39], %sub3A_38 {strides = array<i32>} : memref<1024x16xf32, #tpu.memory_space<vmem>>, vector<1024x16xf32>,
    return
  }
  func.func @transform_0(%arg0: i32) -> (i32, i32, i32) {
    %c0_i32 = arith.constant 0 : i32
    %c0_i32_0 = arith.constant 0 : i32
    %c0_i32_1 = arith.constant 0 : i32
    return %c0_i32, %arg0, %c0_i32_0 : i32, i32, i32
  }
  func.func @transform_1(%arg0: i32) -> (i32, i32) {
    %c0_i32 = arith.constant 0 : i32
    %c0_i32_0 = arith.constant 0 : i32
    return %arg0, %c0_i32 : i32, i32
  }
  func.func @transform_2(%arg0: i32) -> i32 {
    %c0_i32 = arith.constant 0 : i32
    %c0_i32_0 = arith.constant 0 : i32
    return %c0_i32 : i32
  }
  func.func @transform_3(%arg0: i32) -> i32 {
    %c0_i32 = arith.constant 0 : i32
    %c0_i32_0 = arith.constant 0 : i32
    return %c0_i32 : i32
  }
  func.func @transform_4(%arg0: i32) -> (i32, i32) {
    %c0_i32 = arith.constant 0 : i32
    %c0_i32_0 = arith.constant 0 : i32
    %c0_i32_1 = arith.constant 0 : i32
    return %c0_i32, %c0_i32_0 : i32, i32
  }
  func.func @transform_5(%arg0: i32) -> (i32, i32) {
    %c0_i32 = arith.constant 0 : i32
    %c0_i32_0 = arith.constant 0 : i32
    return %arg0, %c0_i32 : i32, i32
  }
}

</mosaic_0001>

<sc_bundles>
// kernel: kernel.11.cloned.1.call-start
scs
__scs_entry_jumppad:
0x0: {  	(pc) =	sbr.rel $0x88, $3  }
0x1: {  	(tag) =	ssettag $0x0;
	lr =	simm.s32 $0x1  }
0x2: {  	[smem:$0x3F9B] =	sst lr;
	_ =	strace $0xD0000000  }
0x3: {  	_ = 	snop  }
0x4: {  	_ = 	snop  }
0x5: {  	_ = 	snop  }
0x6: {  	_ = 	snop  }
0x7: {  	_ = 	snop  }
__scs_overlays_trampoline_lowered:
0x8: {  	[smem:$0x3FAA] =	sst s0  }
0x9: {  	[smem:$0x3FAB] =	sst s1  }
0xa: {  	[smem:$0x3FAC] =	sst s2  }
0xb: {  	[smem:$0x3FAD] =	sst s3  }
0xc: {  	[smem:$0x3FAE] =	sst s4  }
0xd: {  	[smem:$0x3FAF] =	sst s5  }
0xe: {  	[smem:$0x3FB0] =	sst s6  }
0xf: {  	[smem:$0x3FB1] =	sst s7  }
0x10: {  	[smem:$0x3FB2] =	sst s8  }
0x11: {  	[smem:$0x3FB3] =	sst s9;
	s0 =	simm.s32 @!p0 $0x0  }
0x12: {  	s1 =	sld [smem:$0x3F99];
	s0 =	simm.s32 @p0 $0x1  }
0x13: {  	[smem:$0x3FB4] =	sst s0;
	s0 =	simm.s32 @!p1 $0x0  }
0x14: {  	s2 =	sld [smem:$0x3F98];
	s0 =	simm.s32 @p1 $0x1  }
0x15: {  	[smem:$0x3FB5] =	sst s0;
	s0 =	simm.s32 @!p2 $0x0  }
0x16: {  	s3 =	sld [smem:$0x3FDB];
	s0 =	simm.s32 @p2 $0x1  }
0x17: {  	s4 =	simm.s32 $0x1BF5;
	[smem:$0x3FB7] =	sst s0  }
0x18: {  	s0 =	sld [smem:$0x3F9A];
	_ =	swait.ge [sflag:s4], $0x0  }
0x19: {  	s7 =	sld [smem:$0x3F9B]  }
0x1a: {  	s8 =	sadd.s32 $0xFFFFE003, lr  }
0x1b: {  	s9 =	sadd.s32 $0xFFFFFEF7, lr;
	s5 =	simm.s32 $0xFFFFFFFF;
	p2 =	slt.u32 s8, $0xFFFFF086  }
0x1c: {  	p1 =	slt.u32 s9, $0xF7A;
	s5 =	simm.s32 @!p2 $0x0  }
0x1d: {  	s5 =	simm.s32 @p1 $0x1;
	p0 =	seq.s32 s7, s2  }
0x1e: {  	s7 =	smul.u32 @!p0 $0xF7A, s2;
	p2 =	seq.s32 @!p0 s5, $0x0  }
0x1f: {  	s9 =	smul.u32 $0xF7A, s1;
	s8 =	simm.s32 @!p0 $0x1BF5;
	p2 =	por !p2, p0  }
0x20: {  	[sflag:s8] =	ssyncset.s32 @!p0 $0xFFFFF086;
	s6 =	sadd.s32 @!p0 s3, s7;
	s7 =	simm.s32 @!p0 $0x108  }
0x21: {  	s3 =	sadd.s32 s3, s9;
	s6 =	sadd.s32 @!p0 $0x88, s6;
	s7 =	simm.s32 @p2 $0x1082  }
0x22: {  	[simem:s7], [sflag:s8] =	dma.local @!p0 [hbm:s6], $0xF7A  }
0x23: {  	s9 =	sor.u32 $0xD0000000, s2;
	s6 =	simm.s32 $0x108;
	_ =	swait.ge @!p0 [sflag:s8], $0x0  }
0x24: {  	s3 =	sadd.s32 $0x88, s3;
	s6 =	simm.s32 @!p1 $0x1082;
	[sflag:s4] =	ssyncset.s32 $0xFFFFF086  }
0x25: {  	[simem:s6], [sflag:s4] =	dma.local [hbm:s3], $0xF7A  }
0x26: {  	[smem:$0x3F9B] =	sst s1;
	(tag) =	ssettag s2;
	_ =	strace s9  }
0x27: {  	s1 =	sld [smem:$0x3FAB]  }
0x28: {  	s2 =	sld [smem:$0x3FAC]  }
0x29: {  	s4 =	sld [smem:$0x3FAE]  }
0x2a: {  	p0 =	seq.s32 s5, $0x0;
	s5 =	sld [smem:$0x3FAF]  }
0x2b: {  	s6 =	sld [smem:$0x3FB0]  }
0x2c: {  	s7 =	sld [smem:$0x3FB1]  }
0x2d: {  	s3 =	simm.s32 $0x108;
	s8 =	sld [smem:$0x3FB2]  }
0x2e: {  	s3 =	simm.s32 @!p0 $0x1082;
	s9 =	sld [smem:$0x3FB3]  }
0x2f: {  	lr =	sadd.s32 s0, s3;
	s0 =	sld [smem:$0x3FAA]  }
0x30: {  	s3 =	sld [smem:$0x3FAD]  }
0x31: {  	[smem:$0x3FB6] =	sst s10  }
0x32: {  	s10 =	sld [smem:$0x3FB4];
	_ =	sdelay $0x3  }
0x33: {  	p0 =	seq.s32 s10, $0x1;
	s10 =	sld [smem:$0x3FB6];
	_ =	sdelay $0x3  }
0x34: {  	[smem:$0x3FB6] =	sst s10  }
0x35: {  	s10 =	sld [smem:$0x3FB5];
	_ =	sdelay $0x3  }
0x36: {  	p1 =	seq.s32 s10, $0x1;
	s10 =	sld [smem:$0x3FB6];
	_ =	sdelay $0x3  }
0x37: {  	[smem:$0x3FB6] =	sst s10  }
0x38: {  	s10 =	sld [smem:$0x3FB7]  }
0x39: {  	_ = 	snop;
	(pc) =	sbr.ind lr, $3  }
0x3a: {  	_ = 	snop  }
0x3b: {  	_ = 	snop  }
0x3c: {  	p2 =	seq.s32 s10, $0x1;
	s10 =	sld [smem:$0x3FB6]  }
0x3d: {  	_ =	shalt  }
0x3e: {  	_ =	shalt  }
0x3f: {  	_ =	shalt  }
0x40: {  	_ =	shalt  }
0x41: {  	_ =	shalt  }
0x42: {  	_ =	shalt  }
0x43: {  	_ =	shalt  }
0x44: {  	_ =	shalt  }
0x45: {  	_ =	shalt  }
0x46: {  	_ =	shalt  }
0x47: {  	_ =	shalt  }
0x48: {  	_ =	shalt  }
0x49: {  	_ =	shalt  }
0x4a: {  	_ =	shalt  }
0x4b: {  	_ =	shalt  }
0x4c: {  	_ =	shalt  }
0x4d: {  	_ =	shalt  }
0x4e: {  	_ =	shalt  }
0x4f: {  	_ =	shalt  }
0x50: {  	_ =	shalt  }
0x51: {  	_ =	shalt  }
0x52: {  	_ =	shalt  }
0x53: {  	_ =	shalt  }
0x54: {  	_ =	shalt  }
0x55: {  	_ =	shalt  }
0x56: {  	_ =	shalt  }
0x57: {  	_ =	shalt  }
0x58: {  	_ =	shalt  }
0x59: {  	_ =	shalt  }
0x5a: {  	_ =	shalt  }
0x5b: {  	_ =	shalt  }
0x5c: {  	_ =	shalt  }
0x5d: {  	_ =	shalt  }
0x5e: {  	_ =	shalt  }
0x5f: {  	_ =	shalt  }
0x60: {  	_ =	shalt  }
0x61: {  	_ =	shalt  }
0x62: {  	_ =	shalt  }
0x63: {  	_ =	shalt  }
0x64: {  	_ =	shalt  }
0x65: {  	_ =	shalt  }
0x66: {  	_ =	shalt  }
0x67: {  	_ =	shalt  }
0x68: {  	_ =	shalt  }
0x69: {  	_ =	shalt  }
0x6a: {  	_ =	shalt  }
0x6b: {  	_ =	shalt  }
0x6c: {  	_ =	shalt  }
0x6d: {  	_ =	shalt  }
0x6e: {  	_ =	shalt  }
0x6f: {  	_ =	shalt  }
0x70: {  	_ =	shalt  }
0x71: {  	_ =	shalt  }
0x72: {  	_ =	shalt  }
0x73: {  	_ =	shalt  }
0x74: {  	_ =	shalt  }
0x75: {  	_ =	shalt  }
0x76: {  	_ =	shalt  }
0x77: {  	_ =	shalt  }
0x78: {  	_ =	shalt  }
0x79: {  	_ =	shalt  }
0x7a: {  	_ =	shalt  }
0x7b: {  	_ =	shalt  }
0x7c: {  	_ =	shalt  }
0x7d: {  	_ =	shalt  }
0x7e: {  	_ =	shalt  }
0x7f: {  	_ =	shalt  }
0x80: {  	_ =	shalt  }
0x81: {  	_ =	shalt  }
0x82: {  	_ =	shalt  }
0x83: {  	_ =	shalt  }
0x84: {  	_ =	shalt  }
0x85: {  	_ =	shalt  }
0x86: {  	_ =	shalt  }
0x87: {  	_ =	shalt  }
.Lfunc_end0:
.L_simem_size_0:
called_computation.1_lowered:
.L_overlay_start_0:
0x88: {  	s2 =	sld [smem:$0x3FD9]  }
0x89: {  	s3 =	sld [smem:$0x3FFE];
	_ =	sdelay $0x1  }
0x8a: {  	s1 =	srdreg.scid  }
0x8b: {  	s0 =	sand.u32 $0x1, s1  }
0x8c: {  	s17 =	sshll.u32 s0, $0xA;
	s2 =	sadd.s32 s3, s2  }
0x8d: {  	s2 =	sadd.s32 s2, s17  }
0x8e: {  	[smem:$0x3FC2] =	sst s2  }
0x8f: {  	_ = 	snop  }
0x90: {  	s2 =	sld [smem:$0x3FD0];
	(tm) =	ssettm $0x1  }
0x91: {  	s18 =	sld [smem:$0x3FFB];
	_ =	sdelay $0x3  }
0x92: {  	_ =	strace s18  }
0x93: {  	s3 =	sld [smem:$0x3FFC];
	_ =	sdelay $0x3  }
0x94: {  	_ =	strace s3  }
0x95: {  	s3 =	sld [smem:$0x3FFD];
	_ =	sdelay $0x3  }
0x96: {  	_ =	strace s3  }
0x97: {  	_ =	strace $0x8FFFFFFF  }
0x98: {  	s19 =	sld [smem:$0x3FDB];
	_ =	sdelay $0x1  }
0x99: {  	s4 =	simm.s32 $_scs_section_size  }
0x9a: {  	s5 =	simm.s32 $_size__tile_overlayer_lowered;
	s6 =	simm.s32 $_tile_overlayer_lowered  }
0x9b: {  	s22 =	simm.s32 $0x1BFF;
	s21 =	sshll.u32 s6, $0x1;
	s3 =	sadd.s32 s4, s19  }
0x9c: {  	s7 =	simm.s32 $0x0;
	s20 =	sshll.u32 s5, $0x1;
	s5 =	sadd.s32 s21, s3  }
0x9d: {  	[timem:s7], [sflag:s22] =	dma.local [hbm:s5], s20  }
0x9e: {  	_ =	swait.ge [sflag:s22], s20  }
0x9f: {  	s4 =	ssub.s32 $0x0, s20;
	[sflag:s22] =	ssyncset.done $0x0  }
0xa0: {  	[sflag:s22] =	ssyncadd.s32 s4;
	_ =	sdelay $0x1  }
0xa1: {  	s23 =	simm.s32 $0x1B8B  }
0xa2: {  	_ =	swait.ge [sflag:s23], $0x1  }
0xa3: {  	[sflag:s23] =	ssyncset.done $0x0  }
0xa4: {  	s25 =	simm.s32 $0x1B8E;
	s24 =	sld [smem:$0x3FFE];
	[sflag:s23] =	ssyncadd.s32 $0xFFFFFFFF  }
0xa5: {  	s26 =	simm.s32 $execute0_lowered;
	[smem:$0x3FD2] =	sst s25  }
0xa6: {  	s5 =	sshll.u32 s26, $0x1;
	_ =	strace $0x80000049;
	[dreg:$0x1] =	wrdreg $0xFFFFFFFF  }
0xa7: {  	s28 =	simm.s32 $_size_execute0_lowered;
	s3 =	sadd.s32 s3, s5;
	[dreg:$0x0] =	wrdreg $0x0  }
0xa8: {  	s5 =	sshll.u32 s28, $0x1;
	[dreg:$0x2] =	wrdreg s3  }
0xa9: {  	[dreg:$0x3] =	wrdreg s5  }
0xaa: {  	[dreg:$0x4] =	wrdreg $0xC0  }
0xab: {  	_ =	task [dreg:s7], $0x5FFFF  }
0xac: {  	[dreg:$0x1] =	wrdreg $0xFFFFFFFF  }
0xad: {  	[dreg:$0x0] =	wrdreg $0x60  }
0xae: {  	[dreg:$0x2] =	wrdreg s24  }
0xaf: {  	[dreg:$0x3] =	wrdreg s2  }
0xb0: {  	[dreg:$0x4] =	wrdreg $0x190000  }
0xb1: {  	[dreg:$0x5] =	wrdreg $0x1B8000  }
0xb2: {  	[dreg:$0x6] =	wrdreg $0x9  }
0xb3: {  	_ =	task.clear_ibuf [dreg:s7], $0x7FFFF;
	_ =	strace $0x90000049  }
0xb4: {  	s29 =	simm.s32 $0x9;
	_ =	strace $0x8000004B  }
0xb5: {  	_ =	swait.ge [sflag:s29], $0x1  }
0xb6: {  	[sflag:s29] =	ssyncadd.s32 $0xFFFFFFFF  }
0xb7: {  	_ =	strace $0x9000004B  }
0xb8: {  	_ =	sfence  }
0xb9: {  	s30 =	sld [smem:$0x0];
	_ =	sdelay $0x2  }
0xba: {  	s31 =	sshll.u32 s1, $0xD;
	s1 =	sshrl.u32 s1, $0x2  }
0xbb: {  	s3 =	sand.u32 $0x4000, s31;
	s1 =	sadd.s32 s1, s30  }
0xbc: {  	s0 =	sor.u32 s3, s0;
	s1 =	sshll.u32 s1, $0x11  }
0xbd: {  	s0 =	sor.u32 s1, s0  }
0xbe: {  	s0 =	sadd.s32 $0x8F2B, s0  }
0xbf: {  	[sflag:s0] =	ssyncadd.remote.s32 $0x1  }
0xc0: {  	_ =	sfence.sel $0xFFFF  }
0xc1: {  	[dreg:$0x0] =	wrdreg $0xFFFFFFFF;
	(pc) =	sbr.abs _section_cstart, $3  }
0xc2: {  	[dreg:$0x1] =	wrdreg $0xFFFFFFFF  }
0xc3: {  	_ =	task.clear_ibuf [dreg:s7], $0x2FFFF;
	_ =	strace $0x9FFFFFFF  }
0xc4: {  	(tm) =	ssettm $0x7FFFFFFF  }
0xc5: {  	_ =	shalt  }
tec
execute0_lowered:
.L_overlay_start_1:
0x0: {  	(tag) =	ssettag $0x1  }
0x1: {  	s5 =	rddreg [dreg:$0x0]  }
0x2: {  	s6 =	rddreg [dreg:$0x1]  }
0x3: {  	s0 =	srdreg.scid;
	s2 =	rddreg [dreg:$0x2]  }
0x4: {  	s13 =	stileid.u32;
	s3 =	rddreg [dreg:$0x3];
	s4 =	simm.s32 $0x0  }
0x5: {  	s19 =	simm.s32 $0x800;
	s20 =	simm.s32 $0xC00;
	[smem:$0x7FF] =	sst s4  }
0x6: {  	s22 =	simm.s32 $0x1000;
	_ =	strace $0x8000004A;
	[dreg:$0xb] =	wrdreg s19  }
0x7: {  	s24 =	simm.s32 $0x1400;
	s8 =	smul.u32 $0x2800, s13;
	[dreg:$0xc] =	wrdreg s20  }
0x8: {  	s30 =	sand.u32 $0x1, s0;
	s10 =	smul.u32 $0x2710, s13;
	[dreg:$0xd] =	wrdreg s22  }
0x9: {  	s1 =	sshll.u32 s30, $0x4;
	s11 =	smul.u32 $0x28000, s30;
	[dreg:$0xe] =	wrdreg s24  }
0xa: {  	s7 =	sor.u32 s13, s1;
	s9 =	sshrl.u32 s8, $0x3;
	s12 =	sshrl.u32 s10, $0x3  }
0xb: {  	s17 =	sadd.s32 s10, s3;
	s7 =	smul.u32 $0x500, s7;
	s6 =	sadd.s32 s6, s12  }
0xc: {  	s9 =	sadd.s32 s9, s5;
	s18 =	sshrl.u32 s17, $0x3;
	[dreg:$0x6] =	wrdreg s6  }
0xd: {  	s31 =	sshll.u32 s13, $0x6;
	s9 =	sadd.s32 $0x16800, s9;
	[dreg:$0xa] =	wrdreg s18  }
0xe: {  	s11 =	sadd.s32 s8, s11;
	s7 =	sadd.s32 s7, s5;
	[dreg:$0x5] =	wrdreg s9  }
0xf: {  	s14 =	sshrl.u32 s11, $0x3;
	s15 =	sadd.s32 $0xC800, s7;
	s23 =	rddreg [dreg:$0x5]  }
0x10: {  	s5 =	sadd.s32 s14, s5;
	s16 =	sadd.s32 $0x1C00, s7;
	[dreg:$0x7] =	wrdreg s15  }
0x11: {  	s21 =	sadd.s32 s8, s2;
	s5 =	sadd.s32 $0x1B800, s5;
	[dreg:$0x8] =	wrdreg s16  }
0x12: {  	s6 =	sshrl.u32 s21, $0x3;
	[dreg:$0x9] =	wrdreg s5;
	s5 =	sor.u32 $0x1C01, s31  }
0x13: {  	[spmem:s6], [sflag:s5] =	dma.local [hbm:s23], $0x500  }
0x14: {  	s7 =	rddreg [dreg:$0x6]  }
0x15: {  	s25 =	rddreg [dreg:$0xa]  }
0x16: {  	[spmem:s25], [sflag:s5] =	dma.local [hbm:s7], $0x4E2  }
0x17: {  	s7 =	rddreg [dreg:$0x7]  }
0x18: {  	[tilespmem:s4], [sflag:$0x1] =	stream.linear.gather [hbm4b:s7+s4], $0x2800, $0x38;
	[tilespmem:$0x1DF10] =	vst v63  }
0x19: {  	s8 =	simm.s32 $0x1;
	s26 =	rddreg [dreg:$0x8];
	s7 =	simm.s32 $0x2800  }
0x1a: {  	[tilespmem:s7], [sflag:$0x1] =	stream.linear.gather [hbm4b:s26+s4], $0x2800, $0x38;
	[tilespmem:$0x1DF10] =	vst v63  }
0x1b: {  	_ =	swait.ge [sflag:s8], $0x500  }
0x1c: {  	[sflag:s8] =	ssyncset.done $0x0  }
0x1d: {  	[sflag:s8] =	ssyncadd.s32 $0xFFFFFB00  }
0x1e: {  	_ =	swait.ge [sflag:s8], $0x4E2  }
0x1f: {  	[sflag:s8] =	ssyncset.done $0x0  }
0x20: {  	[sflag:s8] =	ssyncadd.s32 $0xFFFFFB1E  }
0x21: {  	_ =	swait.ge [sflag:s8], $0x2800  }
0x22: {  	[sflag:s8] =	ssyncset.done $0x0  }
0x23: {  	[sflag:s8] =	ssyncadd.s32 $0xFFFFD800  }
0x24: {  	_ =	swait.ge [sflag:s8], $0x2800  }
0x25: {  	[sflag:s8] =	ssyncset.done $0x0  }
0x26: {  	[sflag:s8] =	ssyncadd.s32 $0xFFFFD800  }
0x27: {  	s10 =	simm.s32 $0x5000;
	s9 =	simm.s32 $0x400;
	[bflag:$0x0] =	sbarrier.arrive $0xFFFF  }
0x28: {  	[tilespmem:s10], [sflag:$0x1] =	stream.indirect.gather [spmem:s3], $0x10, s4, s9, $0xb8;
	[tilespmem:$0x1DF10] =	vst v63  }
0x29: {  	s11 =	simm.s32 $0x9000  }
0x2a: {  	[tilespmem:s11], [sflag:$0x1] =	stream.indirect.gather [spmem:s3], $0x10, s9, s9, $0xb8;
	[tilespmem:$0x1DF10] =	vst v63  }
0x2b: {  	s12 =	simm.s32 $0xD000;
	s13 =	rddreg [dreg:$0xb]  }
0x2c: {  	[tilespmem:s12], [sflag:$0x1] =	stream.indirect.gather [spmem:s3], $0x10, s13, s9, $0xb8;
	[tilespmem:$0x1DF10] =	vst v63  }
0x2d: {  	s14 =	rddreg [dreg:$0xc];
	s13 =	simm.s32 $0x11000  }
0x2e: {  	[tilespmem:s13], [sflag:$0x1] =	stream.indirect.gather [spmem:s3], $0x10, s14, s9, $0xb8;
	[tilespmem:$0x1DF10] =	vst v63  }
0x2f: {  	s15 =	rddreg [dreg:$0xd];
	s14 =	simm.s32 $0x15000  }
0x30: {  	[tilespmem:s14], [sflag:$0x1] =	stream.indirect.gather [spmem:s3], $0x10, s15, s9, $0xb8;
	[tilespmem:$0x1DF10] =	vst v63  }
0x31: {  	_ =	swait.ge [sflag:s8], $0x4000  }
0x32: {  	[sflag:s8] =	ssyncset.done $0x0  }
0x33: {  	s15 =	simm.s32 $0x2;
	[sflag:s8] =	ssyncadd.s32 $0xFFFFC000  }
0x34: {  	[spmem:s2] =	stream.indirect.scatter.add.f32 [tilespmem:s10], [sflag:$0x2], $0x10, s7, s9, $0xb8;
	[tilespmem:$0x1DF10] =	vst v63  }
0x35: {  	_ =	swait.ge [sflag:s15], $0x4000  }
0x36: {  	[sflag:s15] =	ssyncset.done $0x0  }
0x37: {  	s16 =	rddreg [dreg:$0xe];
	[sflag:s15] =	ssyncadd.s32 $0xFFFFC000  }
0x38: {  	[tilespmem:s10], [sflag:$0x1] =	stream.indirect.gather [spmem:s3], $0x10, s16, s9, $0xb8;
	[tilespmem:$0x1DF10] =	vst v63  }
0x39: {  	_ =	swait.ge [sflag:s8], $0x4000  }
0x3a: {  	[sflag:s8] =	ssyncset.done $0x0  }
0x3b: {  	s16 =	simm.s32 $0x2C00;
	[sflag:s8] =	ssyncadd.s32 $0xFFFFC000  }
0x3c: {  	[spmem:s2] =	stream.indirect.scatter.add.f32 [tilespmem:s11], [sflag:$0x2], $0x10, s16, s9, $0xb8;
	[tilespmem:$0x1DF10] =	vst v63  }
0x3d: {  	_ =	swait.ge [sflag:s15], $0x4000  }
0x3e: {  	[sflag:s15] =	ssyncset.done $0x0  }
0x3f: {  	s17 =	simm.s32 $0x1800;
	[sflag:s15] =	ssyncadd.s32 $0xFFFFC000  }
0x40: {  	[tilespmem:s11], [sflag:$0x1] =	stream.indirect.gather [spmem:s3], $0x10, s17, s9, $0xb8;
	[tilespmem:$0x1DF10] =	vst v63  }
0x41: {  	_ =	swait.ge [sflag:s8], $0x4000  }
0x42: {  	[sflag:s8] =	ssyncset.done $0x0  }
0x43: {  	s18 =	simm.s32 $0x3000;
	[sflag:s8] =	ssyncadd.s32 $0xFFFFC000  }
0x44: {  	[spmem:s2] =	stream.indirect.scatter.add.f32 [tilespmem:s12], [sflag:$0x2], $0x10, s18, s9, $0xb8;
	[tilespmem:$0x1DF10] =	vst v63  }
0x45: {  	_ =	swait.ge [sflag:s15], $0x4000  }
0x46: {  	[sflag:s15] =	ssyncset.done $0x0  }
0x47: {  	s19 =	simm.s32 $0x1C00;
	[sflag:s15] =	ssyncadd.s32 $0xFFFFC000  }
0x48: {  	[tilespmem:s12], [sflag:$0x1] =	stream.indirect.gather [spmem:s3], $0x10, s19, s9, $0xb8;
	[tilespmem:$0x1DF10] =	vst v63  }
0x49: {  	_ =	swait.ge [sflag:s8], $0x4000  }
0x4a: {  	[sflag:s8] =	ssyncset.done $0x0  }
0x4b: {  	s20 =	simm.s32 $0x3400;
	[sflag:s8] =	ssyncadd.s32 $0xFFFFC000  }
0x4c: {  	[spmem:s2] =	stream.indirect.scatter.add.f32 [tilespmem:s13], [sflag:$0x2], $0x10, s20, s9, $0xb8;
	[tilespmem:$0x1DF10] =	vst v63  }
0x4d: {  	_ =	swait.ge [sflag:s15], $0x4000  }
0x4e: {  	[sflag:s15] =	ssyncset.done $0x0  }
0x4f: {  	s21 =	simm.s32 $0x2000;
	[sflag:s15] =	ssyncadd.s32 $0xFFFFC000  }
0x50: {  	[tilespmem:s13], [sflag:$0x1] =	stream.indirect.gather [spmem:s3], $0x10, s21, s9, $0xb8;
	[tilespmem:$0x1DF10] =	vst v63  }
0x51: {  	_ =	swait.ge [sflag:s8], $0x4000  }
0x52: {  	[sflag:s8] =	ssyncset.done $0x0  }
0x53: {  	s22 =	simm.s32 $0x3800;
	[sflag:s8] =	ssyncadd.s32 $0xFFFFC000  }
0x54: {  	[spmem:s2] =	stream.indirect.scatter.add.f32 [tilespmem:s14], [sflag:$0x2], $0x10, s22, s9, $0xb8;
	[tilespmem:$0x1DF10] =	vst v63  }
0x55: {  	_ =	swait.ge [sflag:s15], $0x4000  }
0x56: {  	[sflag:s15] =	ssyncset.done $0x0  }
0x57: {  	s23 =	simm.s32 $0x2400;
	[sflag:s15] =	ssyncadd.s32 $0xFFFFC000  }
0x58: {  	[tilespmem:s14], [sflag:$0x1] =	stream.indirect.gather [spmem:s3], $0x10, s23, s9, $0xb8;
	[tilespmem:$0x1DF10] =	vst v63  }
0x59: {  	_ =	swait.ge [sflag:s8], $0x4000  }
0x5a: {  	[sflag:s8] =	ssyncset.done $0x0  }
0x5b: {  	s24 =	simm.s32 $0x3C00;
	[sflag:s8] =	ssyncadd.s32 $0xFFFFC000  }
0x5c: {  	[spmem:s2] =	stream.indirect.scatter.add.f32 [tilespmem:s10], [sflag:$0x2], $0x10, s24, s9, $0xb8;
	[tilespmem:$0x1DF10] =	vst v63  }
0x5d: {  	_ =	swait.ge [sflag:s15], $0x4000  }
0x5e: {  	[sflag:s15] =	ssyncset.done $0x0  }
0x5f: {  	[sflag:s15] =	ssyncadd.s32 $0xFFFFC000  }
0x60: {  	_ =	swait.ge [sflag:s8], $0x4000  }
0x61: {  	[sflag:s8] =	ssyncset.done $0x0  }
0x62: {  	s25 =	simm.s32 $0x4000;
	[sflag:s8] =	ssyncadd.s32 $0xFFFFC000  }
0x63: {  	[spmem:s2] =	stream.indirect.scatter.add.f32 [tilespmem:s11], [sflag:$0x2], $0x10, s25, s9, $0xb8;
	[tilespmem:$0x1DF10] =	vst v63  }
0x64: {  	_ =	swait.ge [sflag:s15], $0x4000  }
0x65: {  	[sflag:s15] =	ssyncset.done $0x0  }
0x66: {  	[sflag:s15] =	ssyncadd.s32 $0xFFFFC000  }
0x67: {  	_ =	swait.ge [sflag:s8], $0x4000  }
0x68: {  	[sflag:s8] =	ssyncset.done $0x0  }
0x69: {  	s26 =	simm.s32 $0x4400;
	[sflag:s8] =	ssyncadd.s32 $0xFFFFC000  }
0x6a: {  	[spmem:s2] =	stream.indirect.scatter.add.f32 [tilespmem:s12], [sflag:$0x2], $0x10, s26, s9, $0xb8;
	[tilespmem:$0x1DF10] =	vst v63  }
0x6b: {  	_ =	swait.ge [sflag:s15], $0x4000  }
0x6c: {  	[sflag:s15] =	ssyncset.done $0x0  }
0x6d: {  	[sflag:s15] =	ssyncadd.s32 $0xFFFFC000  }
0x6e: {  	_ =	swait.ge [sflag:s8], $0x4000  }
0x6f: {  	[sflag:s8] =	ssyncset.done $0x0  }
0x70: {  	s28 =	simm.s32 $0x4800;
	[sflag:s8] =	ssyncadd.s32 $0xFFFFC000  }
0x71: {  	[spmem:s2] =	stream.indirect.scatter.add.f32 [tilespmem:s13], [sflag:$0x2], $0x10, s28, s9, $0xb8;
	[tilespmem:$0x1DF10] =	vst v63  }
0x72: {  	_ =	swait.ge [sflag:s15], $0x4000  }
0x73: {  	[sflag:s15] =	ssyncset.done $0x0  }
0x74: {  	s30 =	ssub.s32 $0x2, s30;
	[sflag:s15] =	ssyncadd.s32 $0xFFFFC000  }
0x75: {  	s0 =	sshrl.u32 s30, $0x1;
	_ =	swait.ge [sflag:s8], $0x4000  }
0x76: {  	s0 =	ssub.s32 s30, s0;
	[sflag:s8] =	ssyncset.done $0x0  }
0x77: {  	s29 =	simm.s32 $0x4C00;
	s0 =	smax.u32 s0, $0x1;
	[sflag:s8] =	ssyncadd.s32 $0xFFFFC000  }
0x78: {  	[spmem:s2] =	stream.indirect.scatter.add.f32 [tilespmem:s14], [sflag:$0x2], $0x10, s29, s9, $0xb8;
	[tilespmem:$0x1DF10] =	vst v63  }
0x79: {  	p0 =	sne.s32 s0, $0x1;
	_ =	swait.ge [sflag:s15], $0x4000  }
.Ltmp0:
0x7a: {  	[sflag:s15] =	ssyncset.done $0x0;
	(pc) =	sbr.rel @!p0 .LBB2_2-.Ltmp0, $4  }
0x7b: {  	[sflag:s15] =	ssyncadd.s32 $0xFFFFC000  }
0x7c: {  	[bflag:$0x0] =	sbarrier.arrive $0xFFFF  }
0x7d: {  	s30 =	sor.u32 $0x1C02, s31;
	s31 =	sadd.s32 $0xFFFFFFFF, s0;
	s1 =	rddreg [dreg:$0x9]  }
0x7e: {  	[hbm:s1], [sflag:s30] =	dma.local [spmem:s6], $0x500  }
.LBB2_1:
0x7f: {  	_ =	swait.ge [sflag:s15], $0x500  }
0x80: {  	[sflag:s15] =	ssyncset.done $0x0  }
0x81: {  	s0 =	rddreg [dreg:$0x5];
	[sflag:s15] =	ssyncadd.s32 $0xFFFFFB00  }
0x82: {  	[spmem:s6], [sflag:s5] =	dma.local [hbm:s0], $0x500  }
0x83: {  	s0 =	rddreg [dreg:$0x6]  }
0x84: {  	s1 =	rddreg [dreg:$0xa]  }
0x85: {  	[spmem:s1], [sflag:s5] =	dma.local [hbm:s0], $0x4E2  }
0x86: {  	s0 =	rddreg [dreg:$0x7]  }
0x87: {  	[tilespmem:s4], [sflag:$0x1] =	stream.linear.gather [hbm4b:s0+s4], $0x2800, $0x38;
	[tilespmem:$0x1DF10] =	vst v63  }
0x88: {  	s1 =	rddreg [dreg:$0x8]  }
0x89: {  	[tilespmem:s7], [sflag:$0x1] =	stream.linear.gather [hbm4b:s1+s4], $0x2800, $0x38;
	[tilespmem:$0x1DF10] =	vst v63  }
0x8a: {  	_ =	swait.ge [sflag:s8], $0x500  }
0x8b: {  	[sflag:s8] =	ssyncset.done $0x0  }
0x8c: {  	[sflag:s8] =	ssyncadd.s32 $0xFFFFFB00  }
0x8d: {  	_ =	swait.ge [sflag:s8], $0x4E2  }
0x8e: {  	[sflag:s8] =	ssyncset.done $0x0  }
0x8f: {  	[sflag:s8] =	ssyncadd.s32 $0xFFFFFB1E  }
0x90: {  	_ =	swait.ge [sflag:s8], $0x2800  }
0x91: {  	[sflag:s8] =	ssyncset.done $0x0  }
0x92: {  	[sflag:s8] =	ssyncadd.s32 $0xFFFFD800  }
0x93: {  	_ =	swait.ge [sflag:s8], $0x2800  }
0x94: {  	[sflag:s8] =	ssyncset.done $0x0  }
0x95: {  	[sflag:s8] =	ssyncadd.s32 $0xFFFFD800  }
0x96: {  	[bflag:$0x0] =	sbarrier.arrive $0xFFFF  }
0x97: {  	[tilespmem:s10], [sflag:$0x1] =	stream.indirect.gather [spmem:s3], $0x10, s4, s9, $0xb8;
	[tilespmem:$0x1DF10] =	vst v63  }
0x98: {  	_ = 	snop  }
0x99: {  	[tilespmem:s11], [sflag:$0x1] =	stream.indirect.gather [spmem:s3], $0x10, s9, s9, $0xb8;
	[tilespmem:$0x1DF10] =	vst v63  }
0x9a: {  	s0 =	rddreg [dreg:$0xb]  }
0x9b: {  	[tilespmem:s12], [sflag:$0x1] =	stream.indirect.gather [spmem:s3], $0x10, s0, s9, $0xb8;
	[tilespmem:$0x1DF10] =	vst v63  }
0x9c: {  	s1 =	rddreg [dreg:$0xc]  }
0x9d: {  	[tilespmem:s13], [sflag:$0x1] =	stream.indirect.gather [spmem:s3], $0x10, s1, s9, $0xb8;
	[tilespmem:$0x1DF10] =	vst v63  }
0x9e: {  	s0 =	rddreg [dreg:$0xd]  }
0x9f: {  	[tilespmem:s14], [sflag:$0x1] =	stream.indirect.gather [spmem:s3], $0x10, s0, s9, $0xb8;
	[tilespmem:$0x1DF10] =	vst v63  }
0xa0: {  	_ =	swait.ge [sflag:s8], $0x4000  }
0xa1: {  	[sflag:s8] =	ssyncset.done $0x0  }
0xa2: {  	[sflag:s8] =	ssyncadd.s32 $0xFFFFC000  }
0xa3: {  	[spmem:s2] =	stream.indirect.scatter.add.f32 [tilespmem:s10], [sflag:$0x2], $0x10, s7, s9, $0xb8;
	[tilespmem:$0x1DF10] =	vst v63  }
0xa4: {  	_ =	swait.ge [sflag:s15], $0x4000  }
0xa5: {  	[sflag:s15] =	ssyncset.done $0x0  }
0xa6: {  	s1 =	rddreg [dreg:$0xe];
	[sflag:s15] =	ssyncadd.s32 $0xFFFFC000  }
0xa7: {  	[tilespmem:s10], [sflag:$0x1] =	stream.indirect.gather [spmem:s3], $0x10, s1, s9, $0xb8;
	[tilespmem:$0x1DF10] =	vst v63  }
0xa8: {  	_ =	swait.ge [sflag:s8], $0x4000  }
0xa9: {  	[sflag:s8] =	ssyncset.done $0x0  }
0xaa: {  	[sflag:s8] =	ssyncadd.s32 $0xFFFFC000  }
0xab: {  	[spmem:s2] =	stream.indirect.scatter.add.f32 [tilespmem:s11], [sflag:$0x2], $0x10, s16, s9, $0xb8;
	[tilespmem:$0x1DF10] =	vst v63  }
0xac: {  	_ =	swait.ge [sflag:s15], $0x4000  }
0xad: {  	[sflag:s15] =	ssyncset.done $0x0  }
0xae: {  	[sflag:s15] =	ssyncadd.s32 $0xFFFFC000  }
0xaf: {  	[tilespmem:s11], [sflag:$0x1] =	stream.indirect.gather [spmem:s3], $0x10, s17, s9, $0xb8;
	[tilespmem:$0x1DF10] =	vst v63  }
0xb0: {  	_ =	swait.ge [sflag:s8], $0x4000  }
0xb1: {  	[sflag:s8] =	ssyncset.done $0x0  }
0xb2: {  	[sflag:s8] =	ssyncadd.s32 $0xFFFFC000  }
0xb3: {  	[spmem:s2] =	stream.indirect.scatter.add.f32 [tilespmem:s12], [sflag:$0x2], $0x10, s18, s9, $0xb8;
	[tilespmem:$0x1DF10] =	vst v63  }
0xb4: {  	_ =	swait.ge [sflag:s15], $0x4000  }
0xb5: {  	[sflag:s15] =	ssyncset.done $0x0  }
0xb6: {  	[sflag:s15] =	ssyncadd.s32 $0xFFFFC000  }
0xb7: {  	[tilespmem:s12], [sflag:$0x1] =	stream.indirect.gather [spmem:s3], $0x10, s19, s9, $0xb8;
	[tilespmem:$0x1DF10] =	vst v63  }
0xb8: {  	_ =	swait.ge [sflag:s8], $0x4000  }
0xb9: {  	[sflag:s8] =	ssyncset.done $0x0  }
0xba: {  	[sflag:s8] =	ssyncadd.s32 $0xFFFFC000  }
0xbb: {  	[spmem:s2] =	stream.indirect.scatter.add.f32 [tilespmem:s13], [sflag:$0x2], $0x10, s20, s9, $0xb8;
	[tilespmem:$0x1DF10] =	vst v63  }
0xbc: {  	_ =	swait.ge [sflag:s15], $0x4000  }
0xbd: {  	[sflag:s15] =	ssyncset.done $0x0  }
0xbe: {  	[sflag:s15] =	ssyncadd.s32 $0xFFFFC000  }
0xbf: {  	[tilespmem:s13], [sflag:$0x1] =	stream.indirect.gather [spmem:s3], $0x10, s21, s9, $0xb8;
	[tilespmem:$0x1DF10] =	vst v63  }
0xc0: {  	_ =	swait.ge [sflag:s8], $0x4000  }
0xc1: {  	[sflag:s8] =	ssyncset.done $0x0  }
0xc2: {  	[sflag:s8] =	ssyncadd.s32 $0xFFFFC000  }
0xc3: {  	[spmem:s2] =	stream.indirect.scatter.add.f32 [tilespmem:s14], [sflag:$0x2], $0x10, s22, s9, $0xb8;
	[tilespmem:$0x1DF10] =	vst v63  }
0xc4: {  	_ =	swait.ge [sflag:s15], $0x4000  }
0xc5: {  	[sflag:s15] =	ssyncset.done $0x0  }
0xc6: {  	[sflag:s15] =	ssyncadd.s32 $0xFFFFC000  }
0xc7: {  	[tilespmem:s14], [sflag:$0x1] =	stream.indirect.gather [spmem:s3], $0x10, s23, s9, $0xb8;
	[tilespmem:$0x1DF10] =	vst v63  }
0xc8: {  	_ =	swait.ge [sflag:s8], $0x4000  }
0xc9: {  	[sflag:s8] =	ssyncset.done $0x0  }
0xca: {  	[sflag:s8] =	ssyncadd.s32 $0xFFFFC000  }
0xcb: {  	[spmem:s2] =	stream.indirect.scatter.add.f32 [tilespmem:s10], [sflag:$0x2], $0x10, s24, s9, $0xb8;
	[tilespmem:$0x1DF10] =	vst v63  }
0xcc: {  	_ =	swait.ge [sflag:s15], $0x4000  }
0xcd: {  	[sflag:s15] =	ssyncset.done $0x0  }
0xce: {  	[sflag:s15] =	ssyncadd.s32 $0xFFFFC000  }
0xcf: {  	_ =	swait.ge [sflag:s8], $0x4000  }
0xd0: {  	[sflag:s8] =	ssyncset.done $0x0  }
0xd1: {  	[sflag:s8] =	ssyncadd.s32 $0xFFFFC000  }
0xd2: {  	[spmem:s2] =	stream.indirect.scatter.add.f32 [tilespmem:s11], [sflag:$0x2], $0x10, s25, s9, $0xb8;
	[tilespmem:$0x1DF10] =	vst v63  }
0xd3: {  	_ =	swait.ge [sflag:s15], $0x4000  }
0xd4: {  	[sflag:s15] =	ssyncset.done $0x0  }
0xd5: {  	[sflag:s15] =	ssyncadd.s32 $0xFFFFC000  }
0xd6: {  	_ =	swait.ge [sflag:s8], $0x4000  }
0xd7: {  	[sflag:s8] =	ssyncset.done $0x0  }
0xd8: {  	[sflag:s8] =	ssyncadd.s32 $0xFFFFC000  }
0xd9: {  	[spmem:s2] =	stream.indirect.scatter.add.f32 [tilespmem:s12], [sflag:$0x2], $0x10, s26, s9, $0xb8;
	[tilespmem:$0x1DF10] =	vst v63  }
0xda: {  	_ =	swait.ge [sflag:s15], $0x4000  }
0xdb: {  	[sflag:s15] =	ssyncset.done $0x0  }
0xdc: {  	[sflag:s15] =	ssyncadd.s32 $0xFFFFC000  }
0xdd: {  	_ =	swait.ge [sflag:s8], $0x4000  }
0xde: {  	[sflag:s8] =	ssyncset.done $0x0  }
0xdf: {  	[sflag:s8] =	ssyncadd.s32 $0xFFFFC000  }
0xe0: {  	[spmem:s2] =	stream.indirect.scatter.add.f32 [tilespmem:s13], [sflag:$0x2], $0x10, s28, s9, $0xb8;
	[tilespmem:$0x1DF10] =	vst v63  }
0xe1: {  	_ =	swait.ge [sflag:s15], $0x4000  }
0xe2: {  	[sflag:s15] =	ssyncset.done $0x0  }
0xe3: {  	[sflag:s15] =	ssyncadd.s32 $0xFFFFC000  }
0xe4: {  	_ =	swait.ge [sflag:s8], $0x4000  }
0xe5: {  	[sflag:s8] =	ssyncset.done $0x0  }
0xe6: {  	[sflag:s8] =	ssyncadd.s32 $0xFFFFC000  }
0xe7: {  	[spmem:s2] =	stream.indirect.scatter.add.f32 [tilespmem:s14], [sflag:$0x2], $0x10, s29, s9, $0xb8;
	[tilespmem:$0x1DF10] =	vst v63  }
0xe8: {  	p0 =	sne.s32 s31, $0x1;
	_ =	swait.ge [sflag:s15], $0x4000  }
.Ltmp1:
0xe9: {  	[sflag:s15] =	ssyncset.done $0x0;
	(pc) =	sbr.rel @p0 .LBB2_1-.Ltmp1, $4  }
0xea: {  	[sflag:s15] =	ssyncadd.s32 $0xFFFFC000  }
0xeb: {  	[bflag:$0x0] =	sbarrier.arrive $0xFFFF  }
0xec: {  	s31 =	sadd.s32 $0xFFFFFFFF, s31;
	s1 =	rddreg [dreg:$0x9]  }
0xed: {  	[hbm:s1], [sflag:s30] =	dma.local [spmem:s6], $0x500  }
.LBB2_2:
0xee: {  	_ =	swait.ge [sflag:s15], $0x500  }
0xef: {  	[sflag:s15] =	ssyncset.done $0x0  }
0xf0: {  	[sflag:s15] =	ssyncadd.s32 $0xFFFFFB00  }
0xf1: {  	_ =	sfence.sel $0x180000  }
0xf2: {  	[bflag:$0x0] =	sbarrier.arrive $0xFFFF  }
0xf3: {  	_ =	strace $0x9000004A  }
0xf4: {  	s0 =	stileid.u32;
	[bflag:$0x2] =	sbarrier.arrive $0xFFFF  }
0xf5: {  	p0 =	sne.s32 s0, $0x0;
	s0 =	rddreg [dreg:$0x4]  }
0xf6: {  	s0 =	sadd.s32 @!p0 $0x100000, s0  }
0xf7: {  	[sflag:s0] =	ssyncadd.tile.s32 @!p0 $0x1;
	_ =	shalt  }
.Lfunc_end2:
_tile_overlayer_lowered:
.L_overlay_start_2:
0xf8: {  	(tag) =	ssettag $0x2  }
0xf9: {  	s0 =	rddreg [dreg:$0x0];
	s2 =	stileid.u32  }
0xfa: {  	s1 =	rddreg [dreg:$0x1];
	p0 =	sne.s32 s2, $0x0  }
0xfb: {  	s3 =	rddreg [dreg:$0x2];
	[bflag:$0x3] =	sbarrier.arrive $0xFFFF;
	s2 =	simm.s32 @!p0 $0x1C02  }
0xfc: {  	[timem:s3], [sflag:s2] =	dma.local @!p0 [hbm:s0], s1  }
0xfd: {  	s0 =	simm.s32 @!p0 $0x2  }
0xfe: {  	_ =	swait.ge @!p0 [sflag:s0], s1  }
0xff: {  	s1 =	ssub.s32 @!p0 $0x0, s1;
	[sflag:s0] =	ssyncset.done @!p0 $0x0  }
0x100: {  	[sflag:s0] =	ssyncadd.s32 @!p0 s1  }
0x101: {  	[bflag:$0x3] =	sbarrier.arrive $0xFFFF  }
0x102: {  	_ =	shalt  }

// kernel: kernel.14.cloned.1.call-start
scs
__scs_entry_jumppad:
0x0: {  	(pc) =	sbr.rel $0x88, $3  }
0x1: {  	(tag) =	ssettag $0x0;
	lr =	simm.s32 $0x1  }
0x2: {  	[smem:$0x3F9B] =	sst lr;
	_ =	strace $0xD0000000  }
0x3: {  	_ = 	snop  }
0x4: {  	_ = 	snop  }
0x5: {  	_ = 	snop  }
0x6: {  	_ = 	snop  }
0x7: {  	_ = 	snop  }
__scs_overlays_trampoline_lowered:
0x8: {  	[smem:$0x3FAA] =	sst s0  }
0x9: {  	[smem:$0x3FAB] =	sst s1  }
0xa: {  	[smem:$0x3FAC] =	sst s2  }
0xb: {  	[smem:$0x3FAD] =	sst s3  }
0xc: {  	[smem:$0x3FAE] =	sst s4  }
0xd: {  	[smem:$0x3FAF] =	sst s5  }
0xe: {  	[smem:$0x3FB0] =	sst s6  }
0xf: {  	[smem:$0x3FB1] =	sst s7  }
0x10: {  	[smem:$0x3FB2] =	sst s8  }
0x11: {  	[smem:$0x3FB3] =	sst s9;
	s0 =	simm.s32 @!p0 $0x0  }
0x12: {  	s1 =	sld [smem:$0x3F99];
	s0 =	simm.s32 @p0 $0x1  }
0x13: {  	[smem:$0x3FB4] =	sst s0;
	s0 =	simm.s32 @!p1 $0x0  }
0x14: {  	s2 =	sld [smem:$0x3F98];
	s0 =	simm.s32 @p1 $0x1  }
0x15: {  	[smem:$0x3FB5] =	sst s0;
	s0 =	simm.s32 @!p2 $0x0  }
0x16: {  	s3 =	sld [smem:$0x3FDB];
	s0 =	simm.s32 @p2 $0x1  }
0x17: {  	s4 =	simm.s32 $0x1BF5;
	[smem:$0x3FB7] =	sst s0  }
0x18: {  	s0 =	sld [smem:$0x3F9A];
	_ =	swait.ge [sflag:s4], $0x0  }
0x19: {  	s7 =	sld [smem:$0x3F9B]  }
0x1a: {  	s8 =	sadd.s32 $0xFFFFE003, lr  }
0x1b: {  	s9 =	sadd.s32 $0xFFFFFEF7, lr;
	s5 =	simm.s32 $0xFFFFFFFF;
	p2 =	slt.u32 s8, $0xFFFFF086  }
0x1c: {  	p1 =	slt.u32 s9, $0xF7A;
	s5 =	simm.s32 @!p2 $0x0  }
0x1d: {  	s5 =	simm.s32 @p1 $0x1;
	p0 =	seq.s32 s7, s2  }
0x1e: {  	s7 =	smul.u32 @!p0 $0xF7A, s2;
	p2 =	seq.s32 @!p0 s5, $0x0  }
0x1f: {  	s9 =	smul.u32 $0xF7A, s1;
	s8 =	simm.s32 @!p0 $0x1BF5;
	p2 =	por !p2, p0  }
0x20: {  	[sflag:s8] =	ssyncset.s32 @!p0 $0xFFFFF086;
	s6 =	sadd.s32 @!p0 s3, s7;
	s7 =	simm.s32 @!p0 $0x108  }
0x21: {  	s3 =	sadd.s32 s3, s9;
	s6 =	sadd.s32 @!p0 $0x88, s6;
	s7 =	simm.s32 @p2 $0x1082  }
0x22: {  	[simem:s7], [sflag:s8] =	dma.local @!p0 [hbm:s6], $0xF7A  }
0x23: {  	s9 =	sor.u32 $0xD0000000, s2;
	s6 =	simm.s32 $0x108;
	_ =	swait.ge @!p0 [sflag:s8], $0x0  }
0x24: {  	s3 =	sadd.s32 $0x88, s3;
	s6 =	simm.s32 @!p1 $0x1082;
	[sflag:s4] =	ssyncset.s32 $0xFFFFF086  }
0x25: {  	[simem:s6], [sflag:s4] =	dma.local [hbm:s3], $0xF7A  }
0x26: {  	[smem:$0x3F9B] =	sst s1;
	(tag) =	ssettag s2;
	_ =	strace s9  }
0x27: {  	s1 =	sld [smem:$0x3FAB]  }
0x28: {  	s2 =	sld [smem:$0x3FAC]  }
0x29: {  	s4 =	sld [smem:$0x3FAE]  }
0x2a: {  	p0 =	seq.s32 s5, $0x0;
	s5 =	sld [smem:$0x3FAF]  }
0x2b: {  	s6 =	sld [smem:$0x3FB0]  }
0x2c: {  	s7 =	sld [smem:$0x3FB1]  }
0x2d: {  	s3 =	simm.s32 $0x108;
	s8 =	sld [smem:$0x3FB2]  }
0x2e: {  	s3 =	simm.s32 @!p0 $0x1082;
	s9 =	sld [smem:$0x3FB3]  }
0x2f: {  	lr =	sadd.s32 s0, s3;
	s0 =	sld [smem:$0x3FAA]  }
0x30: {  	s3 =	sld [smem:$0x3FAD]  }
0x31: {  	[smem:$0x3FB6] =	sst s10  }
0x32: {  	s10 =	sld [smem:$0x3FB4];
	_ =	sdelay $0x3  }
0x33: {  	p0 =	seq.s32 s10, $0x1;
	s10 =	sld [smem:$0x3FB6];
	_ =	sdelay $0x3  }
0x34: {  	[smem:$0x3FB6] =	sst s10  }
0x35: {  	s10 =	sld [smem:$0x3FB5];
	_ =	sdelay $0x3  }
0x36: {  	p1 =	seq.s32 s10, $0x1;
	s10 =	sld [smem:$0x3FB6];
	_ =	sdelay $0x3  }
0x37: {  	[smem:$0x3FB6] =	sst s10  }
0x38: {  	s10 =	sld [smem:$0x3FB7]  }
0x39: {  	_ = 	snop;
	(pc) =	sbr.ind lr, $3  }
0x3a: {  	_ = 	snop  }
0x3b: {  	_ = 	snop  }
0x3c: {  	p2 =	seq.s32 s10, $0x1;
	s10 =	sld [smem:$0x3FB6]  }
0x3d: {  	_ =	shalt  }
0x3e: {  	_ =	shalt  }
0x3f: {  	_ =	shalt  }
0x40: {  	_ =	shalt  }
0x41: {  	_ =	shalt  }
0x42: {  	_ =	shalt  }
0x43: {  	_ =	shalt  }
0x44: {  	_ =	shalt  }
0x45: {  	_ =	shalt  }
0x46: {  	_ =	shalt  }
0x47: {  	_ =	shalt  }
0x48: {  	_ =	shalt  }
0x49: {  	_ =	shalt  }
0x4a: {  	_ =	shalt  }
0x4b: {  	_ =	shalt  }
0x4c: {  	_ =	shalt  }
0x4d: {  	_ =	shalt  }
0x4e: {  	_ =	shalt  }
0x4f: {  	_ =	shalt  }
0x50: {  	_ =	shalt  }
0x51: {  	_ =	shalt  }
0x52: {  	_ =	shalt  }
0x53: {  	_ =	shalt  }
0x54: {  	_ =	shalt  }
0x55: {  	_ =	shalt  }
0x56: {  	_ =	shalt  }
0x57: {  	_ =	shalt  }
0x58: {  	_ =	shalt  }
0x59: {  	_ =	shalt  }
0x5a: {  	_ =	shalt  }
0x5b: {  	_ =	shalt  }
0x5c: {  	_ =	shalt  }
0x5d: {  	_ =	shalt  }
0x5e: {  	_ =	shalt  }
0x5f: {  	_ =	shalt  }
0x60: {  	_ =	shalt  }
0x61: {  	_ =	shalt  }
0x62: {  	_ =	shalt  }
0x63: {  	_ =	shalt  }
0x64: {  	_ =	shalt  }
0x65: {  	_ =	shalt  }
0x66: {  	_ =	shalt  }
0x67: {  	_ =	shalt  }
0x68: {  	_ =	shalt  }
0x69: {  	_ =	shalt  }
0x6a: {  	_ =	shalt  }
0x6b: {  	_ =	shalt  }
0x6c: {  	_ =	shalt  }
0x6d: {  	_ =	shalt  }
0x6e: {  	_ =	shalt  }
0x6f: {  	_ =	shalt  }
0x70: {  	_ =	shalt  }
0x71: {  	_ =	shalt  }
0x72: {  	_ =	shalt  }
0x73: {  	_ =	shalt  }
0x74: {  	_ =	shalt  }
0x75: {  	_ =	shalt  }
0x76: {  	_ =	shalt  }
0x77: {  	_ =	shalt  }
0x78: {  	_ =	shalt  }
0x79: {  	_ =	shalt  }
0x7a: {  	_ =	shalt  }
0x7b: {  	_ =	shalt  }
0x7c: {  	_ =	shalt  }
0x7d: {  	_ =	shalt  }
0x7e: {  	_ =	shalt  }
0x7f: {  	_ =	shalt  }
0x80: {  	_ =	shalt  }
0x81: {  	_ =	shalt  }
0x82: {  	_ =	shalt  }
0x83: {  	_ =	shalt  }
0x84: {  	_ =	shalt  }
0x85: {  	_ =	shalt  }
0x86: {  	_ =	shalt  }
0x87: {  	_ =	shalt  }
.Lfunc_end0:
.L_simem_size_0:
called_computation.2_lowered:
.L_overlay_start_0:
0x88: {  	s2 =	sld [smem:$0x3FD9]  }
0x89: {  	s3 =	sld [smem:$0x3FFE];
	_ =	sdelay $0x1  }
0x8a: {  	s1 =	srdreg.scid  }
0x8b: {  	s0 =	sand.u32 $0x1, s1  }
0x8c: {  	s17 =	sshll.u32 s0, $0xA;
	s2 =	sadd.s32 s3, s2  }
0x8d: {  	s2 =	sadd.s32 s2, s17  }
0x8e: {  	[smem:$0x3FC2] =	sst s2  }
0x8f: {  	_ = 	snop  }
0x90: {  	s2 =	sld [smem:$0x3FD0];
	(tm) =	ssettm $0x1  }
0x91: {  	s18 =	sld [smem:$0x3FFB];
	_ =	sdelay $0x3  }
0x92: {  	_ =	strace s18  }
0x93: {  	s3 =	sld [smem:$0x3FFC];
	_ =	sdelay $0x3  }
0x94: {  	_ =	strace s3  }
0x95: {  	s3 =	sld [smem:$0x3FFD];
	_ =	sdelay $0x3  }
0x96: {  	_ =	strace s3  }
0x97: {  	_ =	strace $0x8FFFFFFF  }
0x98: {  	s19 =	sld [smem:$0x3FDB];
	_ =	sdelay $0x1  }
0x99: {  	s4 =	simm.s32 $_scs_section_size  }
0x9a: {  	s5 =	simm.s32 $_size__tile_overlayer_lowered;
	s6 =	simm.s32 $_tile_overlayer_lowered  }
0x9b: {  	s22 =	simm.s32 $0x1BFF;
	s21 =	sshll.u32 s6, $0x1;
	s3 =	sadd.s32 s4, s19  }
0x9c: {  	s7 =	simm.s32 $0x0;
	s20 =	sshll.u32 s5, $0x1;
	s5 =	sadd.s32 s21, s3  }
0x9d: {  	[timem:s7], [sflag:s22] =	dma.local [hbm:s5], s20  }
0x9e: {  	_ =	swait.ge [sflag:s22], s20  }
0x9f: {  	s4 =	ssub.s32 $0x0, s20;
	[sflag:s22] =	ssyncset.done $0x0  }
0xa0: {  	[sflag:s22] =	ssyncadd.s32 s4;
	_ =	sdelay $0x1  }
0xa1: {  	s23 =	simm.s32 $0x1B8B  }
0xa2: {  	_ =	swait.ge [sflag:s23], $0x1  }
0xa3: {  	[sflag:s23] =	ssyncset.done $0x0  }
0xa4: {  	s25 =	simm.s32 $0x1B8E;
	s24 =	sld [smem:$0x3FFE];
	[sflag:s23] =	ssyncadd.s32 $0xFFFFFFFF  }
0xa5: {  	s26 =	simm.s32 $execute0_lowered;
	[smem:$0x3FD2] =	sst s25  }
0xa6: {  	s5 =	sshll.u32 s26, $0x1;
	_ =	strace $0x8000004C;
	[dreg:$0x1] =	wrdreg $0xFFFFFFFF  }
0xa7: {  	s28 =	simm.s32 $_size_execute0_lowered;
	s3 =	sadd.s32 s3, s5;
	[dreg:$0x0] =	wrdreg $0x0  }
0xa8: {  	s5 =	sshll.u32 s28, $0x1;
	[dreg:$0x2] =	wrdreg s3  }
0xa9: {  	[dreg:$0x3] =	wrdreg s5  }
0xaa: {  	[dreg:$0x4] =	wrdreg $0xC0  }
0xab: {  	_ =	task [dreg:s7], $0x5FFFF  }
0xac: {  	[dreg:$0x1] =	wrdreg $0xFFFFFFFF  }
0xad: {  	[dreg:$0x0] =	wrdreg $0x60  }
0xae: {  	[dreg:$0x2] =	wrdreg s24  }
0xaf: {  	[dreg:$0x3] =	wrdreg s2  }
0xb0: {  	[dreg:$0x4] =	wrdreg $0x190000  }
0xb1: {  	[dreg:$0x5] =	wrdreg $0x1B8000  }
0xb2: {  	[dreg:$0x6] =	wrdreg $0x9  }
0xb3: {  	_ =	task.clear_ibuf [dreg:s7], $0x7FFFF;
	_ =	strace $0x9000004C  }
0xb4: {  	s29 =	simm.s32 $0x9;
	_ =	strace $0x8000004E  }
0xb5: {  	_ =	swait.ge [sflag:s29], $0x1  }
0xb6: {  	[sflag:s29] =	ssyncadd.s32 $0xFFFFFFFF  }
0xb7: {  	_ =	strace $0x9000004E  }
0xb8: {  	_ =	sfence  }
0xb9: {  	s30 =	sld [smem:$0x0];
	_ =	sdelay $0x2  }
0xba: {  	s31 =	sshll.u32 s1, $0xD;
	s1 =	sshrl.u32 s1, $0x2  }
0xbb: {  	s3 =	sand.u32 $0x4000, s31;
	s1 =	sadd.s32 s1, s30  }
0xbc: {  	s0 =	sor.u32 s3, s0;
	s1 =	sshll.u32 s1, $0x11  }
0xbd: {  	s0 =	sor.u32 s1, s0  }
0xbe: {  	s0 =	sadd.s32 $0x8F2B, s0  }
0xbf: {  	[sflag:s0] =	ssyncadd.remote.s32 $0x1  }
0xc0: {  	_ =	sfence.sel $0xFFFF  }
0xc1: {  	[dreg:$0x0] =	wrdreg $0xFFFFFFFF;
	(pc) =	sbr.abs _section_cstart, $3  }
0xc2: {  	[dreg:$0x1] =	wrdreg $0xFFFFFFFF  }
0xc3: {  	_ =	task.clear_ibuf [dreg:s7], $0x2FFFF;
	_ =	strace $0x9FFFFFFF  }
0xc4: {  	(tm) =	ssettm $0x7FFFFFFF  }
0xc5: {  	_ =	shalt  }
tec
execute0_lowered:
.L_overlay_start_1:
0x0: {  	(tag) =	ssettag $0x1  }
0x1: {  	s5 =	rddreg [dreg:$0x0]  }
0x2: {  	s6 =	rddreg [dreg:$0x1]  }
0x3: {  	s0 =	srdreg.scid;
	s2 =	rddreg [dreg:$0x2]  }
0x4: {  	s13 =	stileid.u32;
	s3 =	rddreg [dreg:$0x3];
	s4 =	simm.s32 $0x0  }
0x5: {  	s19 =	simm.s32 $0x800;
	s20 =	simm.s32 $0xC00;
	[smem:$0x7FF] =	sst s4  }
0x6: {  	s22 =	simm.s32 $0x1000;
	_ =	strace $0x8000004D;
	[dreg:$0xb] =	wrdreg s19  }
0x7: {  	s24 =	simm.s32 $0x1400;
	s8 =	smul.u32 $0x2800, s13;
	[dreg:$0xc] =	wrdreg s20  }
0x8: {  	s30 =	sand.u32 $0x1, s0;
	s10 =	smul.u32 $0x2710, s13;
	[dreg:$0xd] =	wrdreg s22  }
0x9: {  	s1 =	sshll.u32 s30, $0x4;
	s11 =	smul.u32 $0x28000, s30;
	[dreg:$0xe] =	wrdreg s24  }
0xa: {  	s7 =	sor.u32 s13, s1;
	s9 =	sshrl.u32 s8, $0x3;
	s12 =	sshrl.u32 s10, $0x3  }
0xb: {  	s17 =	sadd.s32 s10, s3;
	s7 =	smul.u32 $0x500, s7;
	s6 =	sadd.s32 s6, s12  }
0xc: {  	s9 =	sadd.s32 s9, s5;
	s18 =	sshrl.u32 s17, $0x3;
	[dreg:$0x6] =	wrdreg s6  }
0xd: {  	s31 =	sshll.u32 s13, $0x6;
	s9 =	sadd.s32 $0x16800, s9;
	[dreg:$0xa] =	wrdreg s18  }
0xe: {  	s11 =	sadd.s32 s8, s11;
	s7 =	sadd.s32 s7, s5;
	[dreg:$0x5] =	wrdreg s9  }
0xf: {  	s14 =	sshrl.u32 s11, $0x3;
	s15 =	sadd.s32 $0xC800, s7;
	s23 =	rddreg [dreg:$0x5]  }
0x10: {  	s5 =	sadd.s32 s14, s5;
	s16 =	sadd.s32 $0x1C00, s7;
	[dreg:$0x7] =	wrdreg s15  }
0x11: {  	s21 =	sadd.s32 s8, s2;
	s5 =	sadd.s32 $0x1B800, s5;
	[dreg:$0x8] =	wrdreg s16  }
0x12: {  	s6 =	sshrl.u32 s21, $0x3;
	[dreg:$0x9] =	wrdreg s5;
	s5 =	sor.u32 $0x1C01, s31  }
0x13: {  	[spmem:s6], [sflag:s5] =	dma.local [hbm:s23], $0x500  }
0x14: {  	s7 =	rddreg [dreg:$0x6]  }
0x15: {  	s25 =	rddreg [dreg:$0xa]  }
0x16: {  	[spmem:s25], [sflag:s5] =	dma.local [hbm:s7], $0x4E2  }
0x17: {  	s7 =	rddreg [dreg:$0x7]  }
0x18: {  	[tilespmem:s4], [sflag:$0x1] =	stream.linear.gather [hbm4b:s7+s4], $0x2800, $0x38;
	[tilespmem:$0x1DF10] =	vst v63  }
0x19: {  	s8 =	simm.s32 $0x1;
	s26 =	rddreg [dreg:$0x8];
	s7 =	simm.s32 $0x2800  }
0x1a: {  	[tilespmem:s7], [sflag:$0x1] =	stream.linear.gather [hbm4b:s26+s4], $0x2800, $0x38;
	[tilespmem:$0x1DF10] =	vst v63  }
0x1b: {  	_ =	swait.ge [sflag:s8], $0x500  }
0x1c: {  	[sflag:s8] =	ssyncset.done $0x0  }
0x1d: {  	[sflag:s8] =	ssyncadd.s32 $0xFFFFFB00  }
0x1e: {  	_ =	swait.ge [sflag:s8], $0x4E2  }
0x1f: {  	[sflag:s8] =	ssyncset.done $0x0  }
0x20: {  	[sflag:s8] =	ssyncadd.s32 $0xFFFFFB1E  }
0x21: {  	_ =	swait.ge [sflag:s8], $0x2800  }
0x22: {  	[sflag:s8] =	ssyncset.done $0x0  }
0x23: {  	[sflag:s8] =	ssyncadd.s32 $0xFFFFD800  }
0x24: {  	_ =	swait.ge [sflag:s8], $0x2800  }
0x25: {  	[sflag:s8] =	ssyncset.done $0x0  }
0x26: {  	[sflag:s8] =	ssyncadd.s32 $0xFFFFD800  }
0x27: {  	s10 =	simm.s32 $0x5000;
	s9 =	simm.s32 $0x400;
	[bflag:$0x0] =	sbarrier.arrive $0xFFFF  }
0x28: {  	[tilespmem:s10], [sflag:$0x1] =	stream.indirect.gather [spmem:s3], $0x10, s4, s9, $0xb8;
	[tilespmem:$0x1DF10] =	vst v63  }
0x29: {  	s11 =	simm.s32 $0x9000  }
0x2a: {  	[tilespmem:s11], [sflag:$0x1] =	stream.indirect.gather [spmem:s3], $0x10, s9, s9, $0xb8;
	[tilespmem:$0x1DF10] =	vst v63  }
0x2b: {  	s12 =	simm.s32 $0xD000;
	s13 =	rddreg [dreg:$0xb]  }
0x2c: {  	[tilespmem:s12], [sflag:$0x1] =	stream.indirect.gather [spmem:s3], $0x10, s13, s9, $0xb8;
	[tilespmem:$0x1DF10] =	vst v63  }
0x2d: {  	s14 =	rddreg [dreg:$0xc];
	s13 =	simm.s32 $0x11000  }
0x2e: {  	[tilespmem:s13], [sflag:$0x1] =	stream.indirect.gather [spmem:s3], $0x10, s14, s9, $0xb8;
	[tilespmem:$0x1DF10] =	vst v63  }
0x2f: {  	s15 =	rddreg [dreg:$0xd];
	s14 =	simm.s32 $0x15000  }
0x30: {  	[tilespmem:s14], [sflag:$0x1] =	stream.indirect.gather [spmem:s3], $0x10, s15, s9, $0xb8;
	[tilespmem:$0x1DF10] =	vst v63  }
0x31: {  	_ =	swait.ge [sflag:s8], $0x4000  }
0x32: {  	[sflag:s8] =	ssyncset.done $0x0  }
0x33: {  	s15 =	simm.s32 $0x2;
	[sflag:s8] =	ssyncadd.s32 $0xFFFFC000  }
0x34: {  	[spmem:s2] =	stream.indirect.scatter.add.f32 [tilespmem:s10], [sflag:$0x2], $0x10, s7, s9, $0xb8;
	[tilespmem:$0x1DF10] =	vst v63  }
0x35: {  	_ =	swait.ge [sflag:s15], $0x4000  }
0x36: {  	[sflag:s15] =	ssyncset.done $0x0  }
0x37: {  	s16 =	rddreg [dreg:$0xe];
	[sflag:s15] =	ssyncadd.s32 $0xFFFFC000  }
0x38: {  	[tilespmem:s10], [sflag:$0x1] =	stream.indirect.gather [spmem:s3], $0x10, s16, s9, $0xb8;
	[tilespmem:$0x1DF10] =	vst v63  }
0x39: {  	_ =	swait.ge [sflag:s8], $0x4000  }
0x3a: {  	[sflag:s8] =	ssyncset.done $0x0  }
0x3b: {  	s16 =	simm.s32 $0x2C00;
	[sflag:s8] =	ssyncadd.s32 $0xFFFFC000  }
0x3c: {  	[spmem:s2] =	stream.indirect.scatter.add.f32 [tilespmem:s11], [sflag:$0x2], $0x10, s16, s9, $0xb8;
	[tilespmem:$0x1DF10] =	vst v63  }
0x3d: {  	_ =	swait.ge [sflag:s15], $0x4000  }
0x3e: {  	[sflag:s15] =	ssyncset.done $0x0  }
0x3f: {  	s17 =	simm.s32 $0x1800;
	[sflag:s15] =	ssyncadd.s32 $0xFFFFC000  }
0x40: {  	[tilespmem:s11], [sflag:$0x1] =	stream.indirect.gather [spmem:s3], $0x10, s17, s9, $0xb8;
	[tilespmem:$0x1DF10] =	vst v63  }
0x41: {  	_ =	swait.ge [sflag:s8], $0x4000  }
0x42: {  	[sflag:s8] =	ssyncset.done $0x0  }
0x43: {  	s18 =	simm.s32 $0x3000;
	[sflag:s8] =	ssyncadd.s32 $0xFFFFC000  }
0x44: {  	[spmem:s2] =	stream.indirect.scatter.add.f32 [tilespmem:s12], [sflag:$0x2], $0x10, s18, s9, $0xb8;
	[tilespmem:$0x1DF10] =	vst v63  }
0x45: {  	_ =	swait.ge [sflag:s15], $0x4000  }
0x46: {  	[sflag:s15] =	ssyncset.done $0x0  }
0x47: {  	s19 =	simm.s32 $0x1C00;
	[sflag:s15] =	ssyncadd.s32 $0xFFFFC000  }
0x48: {  	[tilespmem:s12], [sflag:$0x1] =	stream.indirect.gather [spmem:s3], $0x10, s19, s9, $0xb8;
	[tilespmem:$0x1DF10] =	vst v63  }
0x49: {  	_ =	swait.ge [sflag:s8], $0x4000  }
0x4a: {  	[sflag:s8] =	ssyncset.done $0x0  }
0x4b: {  	s20 =	simm.s32 $0x3400;
	[sflag:s8] =	ssyncadd.s32 $0xFFFFC000  }
0x4c: {  	[spmem:s2] =	stream.indirect.scatter.add.f32 [tilespmem:s13], [sflag:$0x2], $0x10, s20, s9, $0xb8;
	[tilespmem:$0x1DF10] =	vst v63  }
0x4d: {  	_ =	swait.ge [sflag:s15], $0x4000  }
0x4e: {  	[sflag:s15] =	ssyncset.done $0x0  }
0x4f: {  	s21 =	simm.s32 $0x2000;
	[sflag:s15] =	ssyncadd.s32 $0xFFFFC000  }
0x50: {  	[tilespmem:s13], [sflag:$0x1] =	stream.indirect.gather [spmem:s3], $0x10, s21, s9, $0xb8;
	[tilespmem:$0x1DF10] =	vst v63  }
0x51: {  	_ =	swait.ge [sflag:s8], $0x4000  }
0x52: {  	[sflag:s8] =	ssyncset.done $0x0  }
0x53: {  	s22 =	simm.s32 $0x3800;
	[sflag:s8] =	ssyncadd.s32 $0xFFFFC000  }
0x54: {  	[spmem:s2] =	stream.indirect.scatter.add.f32 [tilespmem:s14], [sflag:$0x2], $0x10, s22, s9, $0xb8;
	[tilespmem:$0x1DF10] =	vst v63  }
0x55: {  	_ =	swait.ge [sflag:s15], $0x4000  }
0x56: {  	[sflag:s15] =	ssyncset.done $0x0  }
0x57: {  	s23 =	simm.s32 $0x2400;
	[sflag:s15] =	ssyncadd.s32 $0xFFFFC000  }
0x58: {  	[tilespmem:s14], [sflag:$0x1] =	stream.indirect.gather [spmem:s3], $0x10, s23, s9, $0xb8;
	[tilespmem:$0x1DF10] =	vst v63  }
0x59: {  	_ =	swait.ge [sflag:s8], $0x4000  }
0x5a: {  	[sflag:s8] =	ssyncset.done $0x0  }
0x5b: {  	s24 =	simm.s32 $0x3C00;
	[sflag:s8] =	ssyncadd.s32 $0xFFFFC000  }
0x5c: {  	[spmem:s2] =	stream.indirect.scatter.add.f32 [tilespmem:s10], [sflag:$0x2], $0x10, s24, s9, $0xb8;
	[tilespmem:$0x1DF10] =	vst v63  }
0x5d: {  	_ =	swait.ge [sflag:s15], $0x4000  }
0x5e: {  	[sflag:s15] =	ssyncset.done $0x0  }
0x5f: {  	[sflag:s15] =	ssyncadd.s32 $0xFFFFC000  }
0x60: {  	_ =	swait.ge [sflag:s8], $0x4000  }
0x61: {  	[sflag:s8] =	ssyncset.done $0x0  }
0x62: {  	s25 =	simm.s32 $0x4000;
	[sflag:s8] =	ssyncadd.s32 $0xFFFFC000  }
0x63: {  	[spmem:s2] =	stream.indirect.scatter.add.f32 [tilespmem:s11], [sflag:$0x2], $0x10, s25, s9, $0xb8;
	[tilespmem:$0x1DF10] =	vst v63  }
0x64: {  	_ =	swait.ge [sflag:s15], $0x4000  }
0x65: {  	[sflag:s15] =	ssyncset.done $0x0  }
0x66: {  	[sflag:s15] =	ssyncadd.s32 $0xFFFFC000  }
0x67: {  	_ =	swait.ge [sflag:s8], $0x4000  }
0x68: {  	[sflag:s8] =	ssyncset.done $0x0  }
0x69: {  	s26 =	simm.s32 $0x4400;
	[sflag:s8] =	ssyncadd.s32 $0xFFFFC000  }
0x6a: {  	[spmem:s2] =	stream.indirect.scatter.add.f32 [tilespmem:s12], [sflag:$0x2], $0x10, s26, s9, $0xb8;
	[tilespmem:$0x1DF10] =	vst v63  }
0x6b: {  	_ =	swait.ge [sflag:s15], $0x4000  }
0x6c: {  	[sflag:s15] =	ssyncset.done $0x0  }
0x6d: {  	[sflag:s15] =	ssyncadd.s32 $0xFFFFC000  }
0x6e: {  	_ =	swait.ge [sflag:s8], $0x4000  }
0x6f: {  	[sflag:s8] =	ssyncset.done $0x0  }
0x70: {  	s28 =	simm.s32 $0x4800;
	[sflag:s8] =	ssyncadd.s32 $0xFFFFC000  }
0x71: {  	[spmem:s2] =	stream.indirect.scatter.add.f32 [tilespmem:s13], [sflag:$0x2], $0x10, s28, s9, $0xb8;
	[tilespmem:$0x1DF10] =	vst v63  }
0x72: {  	_ =	swait.ge [sflag:s15], $0x4000  }
0x73: {  	[sflag:s15] =	ssyncset.done $0x0  }
0x74: {  	s30 =	ssub.s32 $0x2, s30;
	[sflag:s15] =	ssyncadd.s32 $0xFFFFC000  }
0x75: {  	s0 =	sshrl.u32 s30, $0x1;
	_ =	swait.ge [sflag:s8], $0x4000  }
0x76: {  	s0 =	ssub.s32 s30, s0;
	[sflag:s8] =	ssyncset.done $0x0  }
0x77: {  	s29 =	simm.s32 $0x4C00;
	s0 =	smax.u32 s0, $0x1;
	[sflag:s8] =	ssyncadd.s32 $0xFFFFC000  }
0x78: {  	[spmem:s2] =	stream.indirect.scatter.add.f32 [tilespmem:s14], [sflag:$0x2], $0x10, s29, s9, $0xb8;
	[tilespmem:$0x1DF10] =	vst v63  }
0x79: {  	p0 =	sne.s32 s0, $0x1;
	_ =	swait.ge [sflag:s15], $0x4000  }
.Ltmp0:
0x7a: {  	[sflag:s15] =	ssyncset.done $0x0;
	(pc) =	sbr.rel @!p0 .LBB2_2-.Ltmp0, $4  }
0x7b: {  	[sflag:s15] =	ssyncadd.s32 $0xFFFFC000  }
0x7c: {  	[bflag:$0x0] =	sbarrier.arrive $0xFFFF  }
0x7d: {  	s30 =	sor.u32 $0x1C02, s31;
	s31 =	sadd.s32 $0xFFFFFFFF, s0;
	s1 =	rddreg [dreg:$0x9]  }
0x7e: {  	[hbm:s1], [sflag:s30] =	dma.local [spmem:s6], $0x500  }
.LBB2_1:
0x7f: {  	_ =	swait.ge [sflag:s15], $0x500  }
0x80: {  	[sflag:s15] =	ssyncset.done $0x0  }
0x81: {  	s0 =	rddreg [dreg:$0x5];
	[sflag:s15] =	ssyncadd.s32 $0xFFFFFB00  }
0x82: {  	[spmem:s6], [sflag:s5] =	dma.local [hbm:s0], $0x500  }
0x83: {  	s0 =	rddreg [dreg:$0x6]  }
0x84: {  	s1 =	rddreg [dreg:$0xa]  }
0x85: {  	[spmem:s1], [sflag:s5] =	dma.local [hbm:s0], $0x4E2  }
0x86: {  	s0 =	rddreg [dreg:$0x7]  }
0x87: {  	[tilespmem:s4], [sflag:$0x1] =	stream.linear.gather [hbm4b:s0+s4], $0x2800, $0x38;
	[tilespmem:$0x1DF10] =	vst v63  }
0x88: {  	s1 =	rddreg [dreg:$0x8]  }
0x89: {  	[tilespmem:s7], [sflag:$0x1] =	stream.linear.gather [hbm4b:s1+s4], $0x2800, $0x38;
	[tilespmem:$0x1DF10] =	vst v63  }
0x8a: {  	_ =	swait.ge [sflag:s8], $0x500  }
0x8b: {  	[sflag:s8] =	ssyncset.done $0x0  }
0x8c: {  	[sflag:s8] =	ssyncadd.s32 $0xFFFFFB00  }
0x8d: {  	_ =	swait.ge [sflag:s8], $0x4E2  }
0x8e: {  	[sflag:s8] =	ssyncset.done $0x0  }
0x8f: {  	[sflag:s8] =	ssyncadd.s32 $0xFFFFFB1E  }
0x90: {  	_ =	swait.ge [sflag:s8], $0x2800  }
0x91: {  	[sflag:s8] =	ssyncset.done $0x0  }
0x92: {  	[sflag:s8] =	ssyncadd.s32 $0xFFFFD800  }
0x93: {  	_ =	swait.ge [sflag:s8], $0x2800  }
0x94: {  	[sflag:s8] =	ssyncset.done $0x0  }
0x95: {  	[sflag:s8] =	ssyncadd.s32 $0xFFFFD800  }
0x96: {  	[bflag:$0x0] =	sbarrier.arrive $0xFFFF  }
0x97: {  	[tilespmem:s10], [sflag:$0x1] =	stream.indirect.gather [spmem:s3], $0x10, s4, s9, $0xb8;
	[tilespmem:$0x1DF10] =	vst v63  }
0x98: {  	_ = 	snop  }
0x99: {  	[tilespmem:s11], [sflag:$0x1] =	stream.indirect.gather [spmem:s3], $0x10, s9, s9, $0xb8;
	[tilespmem:$0x1DF10] =	vst v63  }
0x9a: {  	s0 =	rddreg [dreg:$0xb]  }
0x9b: {  	[tilespmem:s12], [sflag:$0x1] =	stream.indirect.gather [spmem:s3], $0x10, s0, s9, $0xb8;
	[tilespmem:$0x1DF10] =	vst v63  }
0x9c: {  	s1 =	rddreg [dreg:$0xc]  }
0x9d: {  	[tilespmem:s13], [sflag:$0x1] =	stream.indirect.gather [spmem:s3], $0x10, s1, s9, $0xb8;
	[tilespmem:$0x1DF10] =	vst v63  }
0x9e: {  	s0 =	rddreg [dreg:$0xd]  }
0x9f: {  	[tilespmem:s14], [sflag:$0x1] =	stream.indirect.gather [spmem:s3], $0x10, s0, s9, $0xb8;
	[tilespmem:$0x1DF10] =	vst v63  }
0xa0: {  	_ =	swait.ge [sflag:s8], $0x4000  }
0xa1: {  	[sflag:s8] =	ssyncset.done $0x0  }
0xa2: {  	[sflag:s8] =	ssyncadd.s32 $0xFFFFC000  }
0xa3: {  	[spmem:s2] =	stream.indirect.scatter.add.f32 [tilespmem:s10], [sflag:$0x2], $0x10, s7, s9, $0xb8;
	[tilespmem:$0x1DF10] =	vst v63  }
0xa4: {  	_ =	swait.ge [sflag:s15], $0x4000  }
0xa5: {  	[sflag:s15] =	ssyncset.done $0x0  }
0xa6: {  	s1 =	rddreg [dreg:$0xe];
	[sflag:s15] =	ssyncadd.s32 $0xFFFFC000  }
0xa7: {  	[tilespmem:s10], [sflag:$0x1] =	stream.indirect.gather [spmem:s3], $0x10, s1, s9, $0xb8;
	[tilespmem:$0x1DF10] =	vst v63  }
0xa8: {  	_ =	swait.ge [sflag:s8], $0x4000  }
0xa9: {  	[sflag:s8] =	ssyncset.done $0x0  }
0xaa: {  	[sflag:s8] =	ssyncadd.s32 $0xFFFFC000  }
0xab: {  	[spmem:s2] =	stream.indirect.scatter.add.f32 [tilespmem:s11], [sflag:$0x2], $0x10, s16, s9, $0xb8;
	[tilespmem:$0x1DF10] =	vst v63  }
0xac: {  	_ =	swait.ge [sflag:s15], $0x4000  }
0xad: {  	[sflag:s15] =	ssyncset.done $0x0  }
0xae: {  	[sflag:s15] =	ssyncadd.s32 $0xFFFFC000  }
0xaf: {  	[tilespmem:s11], [sflag:$0x1] =	stream.indirect.gather [spmem:s3], $0x10, s17, s9, $0xb8;
	[tilespmem:$0x1DF10] =	vst v63  }
0xb0: {  	_ =	swait.ge [sflag:s8], $0x4000  }
0xb1: {  	[sflag:s8] =	ssyncset.done $0x0  }
0xb2: {  	[sflag:s8] =	ssyncadd.s32 $0xFFFFC000  }
0xb3: {  	[spmem:s2] =	stream.indirect.scatter.add.f32 [tilespmem:s12], [sflag:$0x2], $0x10, s18, s9, $0xb8;
	[tilespmem:$0x1DF10] =	vst v63  }
0xb4: {  	_ =	swait.ge [sflag:s15], $0x4000  }
0xb5: {  	[sflag:s15] =	ssyncset.done $0x0  }
0xb6: {  	[sflag:s15] =	ssyncadd.s32 $0xFFFFC000  }
0xb7: {  	[tilespmem:s12], [sflag:$0x1] =	stream.indirect.gather [spmem:s3], $0x10, s19, s9, $0xb8;
	[tilespmem:$0x1DF10] =	vst v63  }
0xb8: {  	_ =	swait.ge [sflag:s8], $0x4000  }
0xb9: {  	[sflag:s8] =	ssyncset.done $0x0  }
0xba: {  	[sflag:s8] =	ssyncadd.s32 $0xFFFFC000  }
0xbb: {  	[spmem:s2] =	stream.indirect.scatter.add.f32 [tilespmem:s13], [sflag:$0x2], $0x10, s20, s9, $0xb8;
	[tilespmem:$0x1DF10] =	vst v63  }
0xbc: {  	_ =	swait.ge [sflag:s15], $0x4000  }
0xbd: {  	[sflag:s15] =	ssyncset.done $0x0  }
0xbe: {  	[sflag:s15] =	ssyncadd.s32 $0xFFFFC000  }
0xbf: {  	[tilespmem:s13], [sflag:$0x1] =	stream.indirect.gather [spmem:s3], $0x10, s21, s9, $0xb8;
	[tilespmem:$0x1DF10] =	vst v63  }
0xc0: {  	_ =	swait.ge [sflag:s8], $0x4000  }
0xc1: {  	[sflag:s8] =	ssyncset.done $0x0  }
0xc2: {  	[sflag:s8] =	ssyncadd.s32 $0xFFFFC000  }
0xc3: {  	[spmem:s2] =	stream.indirect.scatter.add.f32 [tilespmem:s14], [sflag:$0x2], $0x10, s22, s9, $0xb8;
	[tilespmem:$0x1DF10] =	vst v63  }
0xc4: {  	_ =	swait.ge [sflag:s15], $0x4000  }
0xc5: {  	[sflag:s15] =	ssyncset.done $0x0  }
0xc6: {  	[sflag:s15] =	ssyncadd.s32 $0xFFFFC000  }
0xc7: {  	[tilespmem:s14], [sflag:$0x1] =	stream.indirect.gather [spmem:s3], $0x10, s23, s9, $0xb8;
	[tilespmem:$0x1DF10] =	vst v63  }
0xc8: {  	_ =	swait.ge [sflag:s8], $0x4000  }
0xc9: {  	[sflag:s8] =	ssyncset.done $0x0  }
0xca: {  	[sflag:s8] =	ssyncadd.s32 $0xFFFFC000  }
0xcb: {  	[spmem:s2] =	stream.indirect.scatter.add.f32 [tilespmem:s10], [sflag:$0x2], $0x10, s24, s9, $0xb8;
	[tilespmem:$0x1DF10] =	vst v63  }
0xcc: {  	_ =	swait.ge [sflag:s15], $0x4000  }
0xcd: {  	[sflag:s15] =	ssyncset.done $0x0  }
0xce: {  	[sflag:s15] =	ssyncadd.s32 $0xFFFFC000  }
0xcf: {  	_ =	swait.ge [sflag:s8], $0x4000  }
0xd0: {  	[sflag:s8] =	ssyncset.done $0x0  }
0xd1: {  	[sflag:s8] =	ssyncadd.s32 $0xFFFFC000  }
0xd2: {  	[spmem:s2] =	stream.indirect.scatter.add.f32 [tilespmem:s11], [sflag:$0x2], $0x10, s25, s9, $0xb8;
	[tilespmem:$0x1DF10] =	vst v63  }
0xd3: {  	_ =	swait.ge [sflag:s15], $0x4000  }
0xd4: {  	[sflag:s15] =	ssyncset.done $0x0  }
0xd5: {  	[sflag:s15] =	ssyncadd.s32 $0xFFFFC000  }
0xd6: {  	_ =	swait.ge [sflag:s8], $0x4000  }
0xd7: {  	[sflag:s8] =	ssyncset.done $0x0  }
0xd8: {  	[sflag:s8] =	ssyncadd.s32 $0xFFFFC000  }
0xd9: {  	[spmem:s2] =	stream.indirect.scatter.add.f32 [tilespmem:s12], [sflag:$0x2], $0x10, s26, s9, $0xb8;
	[tilespmem:$0x1DF10] =	vst v63  }
0xda: {  	_ =	swait.ge [sflag:s15], $0x4000  }
0xdb: {  	[sflag:s15] =	ssyncset.done $0x0  }
0xdc: {  	[sflag:s15] =	ssyncadd.s32 $0xFFFFC000  }
0xdd: {  	_ =	swait.ge [sflag:s8], $0x4000  }
0xde: {  	[sflag:s8] =	ssyncset.done $0x0  }
0xdf: {  	[sflag:s8] =	ssyncadd.s32 $0xFFFFC000  }
0xe0: {  	[spmem:s2] =	stream.indirect.scatter.add.f32 [tilespmem:s13], [sflag:$0x2], $0x10, s28, s9, $0xb8;
	[tilespmem:$0x1DF10] =	vst v63  }
0xe1: {  	_ =	swait.ge [sflag:s15], $0x4000  }
0xe2: {  	[sflag:s15] =	ssyncset.done $0x0  }
0xe3: {  	[sflag:s15] =	ssyncadd.s32 $0xFFFFC000  }
0xe4: {  	_ =	swait.ge [sflag:s8], $0x4000  }
0xe5: {  	[sflag:s8] =	ssyncset.done $0x0  }
0xe6: {  	[sflag:s8] =	ssyncadd.s32 $0xFFFFC000  }
0xe7: {  	[spmem:s2] =	stream.indirect.scatter.add.f32 [tilespmem:s14], [sflag:$0x2], $0x10, s29, s9, $0xb8;
	[tilespmem:$0x1DF10] =	vst v63  }
0xe8: {  	p0 =	sne.s32 s31, $0x1;
	_ =	swait.ge [sflag:s15], $0x4000  }
.Ltmp1:
0xe9: {  	[sflag:s15] =	ssyncset.done $0x0;
	(pc) =	sbr.rel @p0 .LBB2_1-.Ltmp1, $4  }
0xea: {  	[sflag:s15] =	ssyncadd.s32 $0xFFFFC000  }
0xeb: {  	[bflag:$0x0] =	sbarrier.arrive $0xFFFF  }
0xec: {  	s31 =	sadd.s32 $0xFFFFFFFF, s31;
	s1 =	rddreg [dreg:$0x9]  }
0xed: {  	[hbm:s1], [sflag:s30] =	dma.local [spmem:s6], $0x500  }
.LBB2_2:
0xee: {  	_ =	swait.ge [sflag:s15], $0x500  }
0xef: {  	[sflag:s15] =	ssyncset.done $0x0  }
0xf0: {  	[sflag:s15] =	ssyncadd.s32 $0xFFFFFB00  }
0xf1: {  	_ =	sfence.sel $0x180000  }
0xf2: {  	[bflag:$0x0] =	sbarrier.arrive $0xFFFF  }
0xf3: {  	_ =	strace $0x9000004D  }
0xf4: {  	s0 =	stileid.u32;
	[bflag:$0x2] =	sbarrier.arrive $0xFFFF  }
0xf5: {  	p0 =	sne.s32 s0, $0x0;
	s0 =	rddreg [dreg:$0x4]  }
0xf6: {  	s0 =	sadd.s32 @!p0 $0x100000, s0  }
0xf7: {  	[sflag:s0] =	ssyncadd.tile.s32 @!p0 $0x1;
	_ =	shalt  }
.Lfunc_end2:
_tile_overlayer_lowered:
.L_overlay_start_2:
0xf8: {  	(tag) =	ssettag $0x2  }
0xf9: {  	s0 =	rddreg [dreg:$0x0];
	s2 =	stileid.u32  }
0xfa: {  	s1 =	rddreg [dreg:$0x1];
	p0 =	sne.s32 s2, $0x0  }
0xfb: {  	s3 =	rddreg [dreg:$0x2];
	[bflag:$0x3] =	sbarrier.arrive $0xFFFF;
	s2 =	simm.s32 @!p0 $0x1C02  }
0xfc: {  	[timem:s3], [sflag:s2] =	dma.local @!p0 [hbm:s0], s1  }
0xfd: {  	s0 =	simm.s32 @!p0 $0x2  }
0xfe: {  	_ =	swait.ge @!p0 [sflag:s0], s1  }
0xff: {  	s1 =	ssub.s32 @!p0 $0x0, s1;
	[sflag:s0] =	ssyncset.done @!p0 $0x0  }
0x100: {  	[sflag:s0] =	ssyncadd.s32 @!p0 s1  }
0x101: {  	[bflag:$0x3] =	sbarrier.arrive $0xFFFF  }
0x102: {  	_ =	shalt  }

// kernel: kernel.8.cloned.1.call-start
scs
__scs_entry_jumppad:
0x0: {  	(pc) =	sbr.rel $0x88, $3  }
0x1: {  	(tag) =	ssettag $0x0;
	lr =	simm.s32 $0x1  }
0x2: {  	[smem:$0x3F9B] =	sst lr;
	_ =	strace $0xD0000000  }
0x3: {  	_ = 	snop  }
0x4: {  	_ = 	snop  }
0x5: {  	_ = 	snop  }
0x6: {  	_ = 	snop  }
0x7: {  	_ = 	snop  }
__scs_overlays_trampoline_lowered:
0x8: {  	[smem:$0x3FAA] =	sst s0  }
0x9: {  	[smem:$0x3FAB] =	sst s1  }
0xa: {  	[smem:$0x3FAC] =	sst s2  }
0xb: {  	[smem:$0x3FAD] =	sst s3  }
0xc: {  	[smem:$0x3FAE] =	sst s4  }
0xd: {  	[smem:$0x3FAF] =	sst s5  }
0xe: {  	[smem:$0x3FB0] =	sst s6  }
0xf: {  	[smem:$0x3FB1] =	sst s7  }
0x10: {  	[smem:$0x3FB2] =	sst s8  }
0x11: {  	[smem:$0x3FB3] =	sst s9;
	s0 =	simm.s32 @!p0 $0x0  }
0x12: {  	s1 =	sld [smem:$0x3F99];
	s0 =	simm.s32 @p0 $0x1  }
0x13: {  	[smem:$0x3FB4] =	sst s0;
	s0 =	simm.s32 @!p1 $0x0  }
0x14: {  	s2 =	sld [smem:$0x3F98];
	s0 =	simm.s32 @p1 $0x1  }
0x15: {  	[smem:$0x3FB5] =	sst s0;
	s0 =	simm.s32 @!p2 $0x0  }
0x16: {  	s3 =	sld [smem:$0x3FDB];
	s0 =	simm.s32 @p2 $0x1  }
0x17: {  	s4 =	simm.s32 $0x1BF5;
	[smem:$0x3FB7] =	sst s0  }
0x18: {  	s0 =	sld [smem:$0x3F9A];
	_ =	swait.ge [sflag:s4], $0x0  }
0x19: {  	s7 =	sld [smem:$0x3F9B]  }
0x1a: {  	s8 =	sadd.s32 $0xFFFFE003, lr  }
0x1b: {  	s9 =	sadd.s32 $0xFFFFFEF7, lr;
	s5 =	simm.s32 $0xFFFFFFFF;
	p2 =	slt.u32 s8, $0xFFFFF086  }
0x1c: {  	p1 =	slt.u32 s9, $0xF7A;
	s5 =	simm.s32 @!p2 $0x0  }
0x1d: {  	s5 =	simm.s32 @p1 $0x1;
	p0 =	seq.s32 s7, s2  }
0x1e: {  	s7 =	smul.u32 @!p0 $0xF7A, s2;
	p2 =	seq.s32 @!p0 s5, $0x0  }
0x1f: {  	s9 =	smul.u32 $0xF7A, s1;
	s8 =	simm.s32 @!p0 $0x1BF5;
	p2 =	por !p2, p0  }
0x20: {  	[sflag:s8] =	ssyncset.s32 @!p0 $0xFFFFF086;
	s6 =	sadd.s32 @!p0 s3, s7;
	s7 =	simm.s32 @!p0 $0x108  }
0x21: {  	s3 =	sadd.s32 s3, s9;
	s6 =	sadd.s32 @!p0 $0x88, s6;
	s7 =	simm.s32 @p2 $0x1082  }
0x22: {  	[simem:s7], [sflag:s8] =	dma.local @!p0 [hbm:s6], $0xF7A  }
0x23: {  	s9 =	sor.u32 $0xD0000000, s2;
	s6 =	simm.s32 $0x108;
	_ =	swait.ge @!p0 [sflag:s8], $0x0  }
0x24: {  	s3 =	sadd.s32 $0x88, s3;
	s6 =	simm.s32 @!p1 $0x1082;
	[sflag:s4] =	ssyncset.s32 $0xFFFFF086  }
0x25: {  	[simem:s6], [sflag:s4] =	dma.local [hbm:s3], $0xF7A  }
0x26: {  	[smem:$0x3F9B] =	sst s1;
	(tag) =	ssettag s2;
	_ =	strace s9  }
0x27: {  	s1 =	sld [smem:$0x3FAB]  }
0x28: {  	s2 =	sld [smem:$0x3FAC]  }
0x29: {  	s4 =	sld [smem:$0x3FAE]  }
0x2a: {  	p0 =	seq.s32 s5, $0x0;
	s5 =	sld [smem:$0x3FAF]  }
0x2b: {  	s6 =	sld [smem:$0x3FB0]  }
0x2c: {  	s7 =	sld [smem:$0x3FB1]  }
0x2d: {  	s3 =	simm.s32 $0x108;
	s8 =	sld [smem:$0x3FB2]  }
0x2e: {  	s3 =	simm.s32 @!p0 $0x1082;
	s9 =	sld [smem:$0x3FB3]  }
0x2f: {  	lr =	sadd.s32 s0, s3;
	s0 =	sld [smem:$0x3FAA]  }
0x30: {  	s3 =	sld [smem:$0x3FAD]  }
0x31: {  	[smem:$0x3FB6] =	sst s10  }
0x32: {  	s10 =	sld [smem:$0x3FB4];
	_ =	sdelay $0x3  }
0x33: {  	p0 =	seq.s32 s10, $0x1;
	s10 =	sld [smem:$0x3FB6];
	_ =	sdelay $0x3  }
0x34: {  	[smem:$0x3FB6] =	sst s10  }
0x35: {  	s10 =	sld [smem:$0x3FB5];
	_ =	sdelay $0x3  }
0x36: {  	p1 =	seq.s32 s10, $0x1;
	s10 =	sld [smem:$0x3FB6];
	_ =	sdelay $0x3  }
0x37: {  	[smem:$0x3FB6] =	sst s10  }
0x38: {  	s10 =	sld [smem:$0x3FB7]  }
0x39: {  	_ = 	snop;
	(pc) =	sbr.ind lr, $3  }
0x3a: {  	_ = 	snop  }
0x3b: {  	_ = 	snop  }
0x3c: {  	p2 =	seq.s32 s10, $0x1;
	s10 =	sld [smem:$0x3FB6]  }
0x3d: {  	_ =	shalt  }
0x3e: {  	_ =	shalt  }
0x3f: {  	_ =	shalt  }
0x40: {  	_ =	shalt  }
0x41: {  	_ =	shalt  }
0x42: {  	_ =	shalt  }
0x43: {  	_ =	shalt  }
0x44: {  	_ =	shalt  }
0x45: {  	_ =	shalt  }
0x46: {  	_ =	shalt  }
0x47: {  	_ =	shalt  }
0x48: {  	_ =	shalt  }
0x49: {  	_ =	shalt  }
0x4a: {  	_ =	shalt  }
0x4b: {  	_ =	shalt  }
0x4c: {  	_ =	shalt  }
0x4d: {  	_ =	shalt  }
0x4e: {  	_ =	shalt  }
0x4f: {  	_ =	shalt  }
0x50: {  	_ =	shalt  }
0x51: {  	_ =	shalt  }
0x52: {  	_ =	shalt  }
0x53: {  	_ =	shalt  }
0x54: {  	_ =	shalt  }
0x55: {  	_ =	shalt  }
0x56: {  	_ =	shalt  }
0x57: {  	_ =	shalt  }
0x58: {  	_ =	shalt  }
0x59: {  	_ =	shalt  }
0x5a: {  	_ =	shalt  }
0x5b: {  	_ =	shalt  }
0x5c: {  	_ =	shalt  }
0x5d: {  	_ =	shalt  }
0x5e: {  	_ =	shalt  }
0x5f: {  	_ =	shalt  }
0x60: {  	_ =	shalt  }
0x61: {  	_ =	shalt  }
0x62: {  	_ =	shalt  }
0x63: {  	_ =	shalt  }
0x64: {  	_ =	shalt  }
0x65: {  	_ =	shalt  }
0x66: {  	_ =	shalt  }
0x67: {  	_ =	shalt  }
0x68: {  	_ =	shalt  }
0x69: {  	_ =	shalt  }
0x6a: {  	_ =	shalt  }
0x6b: {  	_ =	shalt  }
0x6c: {  	_ =	shalt  }
0x6d: {  	_ =	shalt  }
0x6e: {  	_ =	shalt  }
0x6f: {  	_ =	shalt  }
0x70: {  	_ =	shalt  }
0x71: {  	_ =	shalt  }
0x72: {  	_ =	shalt  }
0x73: {  	_ =	shalt  }
0x74: {  	_ =	shalt  }
0x75: {  	_ =	shalt  }
0x76: {  	_ =	shalt  }
0x77: {  	_ =	shalt  }
0x78: {  	_ =	shalt  }
0x79: {  	_ =	shalt  }
0x7a: {  	_ =	shalt  }
0x7b: {  	_ =	shalt  }
0x7c: {  	_ =	shalt  }
0x7d: {  	_ =	shalt  }
0x7e: {  	_ =	shalt  }
0x7f: {  	_ =	shalt  }
0x80: {  	_ =	shalt  }
0x81: {  	_ =	shalt  }
0x82: {  	_ =	shalt  }
0x83: {  	_ =	shalt  }
0x84: {  	_ =	shalt  }
0x85: {  	_ =	shalt  }
0x86: {  	_ =	shalt  }
0x87: {  	_ =	shalt  }
.Lfunc_end0:
.L_simem_size_0:
called_computation_lowered:
.L_overlay_start_0:
0x88: {  	s2 =	sld [smem:$0x3FD9]  }
0x89: {  	s3 =	sld [smem:$0x3FFE];
	_ =	sdelay $0x1  }
0x8a: {  	s1 =	srdreg.scid  }
0x8b: {  	s0 =	sand.u32 $0x1, s1  }
0x8c: {  	s17 =	sshll.u32 s0, $0xA;
	s2 =	sadd.s32 s3, s2  }
0x8d: {  	s2 =	sadd.s32 s2, s17  }
0x8e: {  	[smem:$0x3FC2] =	sst s2  }
0x8f: {  	_ = 	snop  }
0x90: {  	s2 =	sld [smem:$0x3FD0];
	(tm) =	ssettm $0x1  }
0x91: {  	s18 =	sld [smem:$0x3FFB];
	_ =	sdelay $0x3  }
0x92: {  	_ =	strace s18  }
0x93: {  	s3 =	sld [smem:$0x3FFC];
	_ =	sdelay $0x3  }
0x94: {  	_ =	strace s3  }
0x95: {  	s3 =	sld [smem:$0x3FFD];
	_ =	sdelay $0x3  }
0x96: {  	_ =	strace s3  }
0x97: {  	_ =	strace $0x8FFFFFFF  }
0x98: {  	s19 =	sld [smem:$0x3FDB];
	_ =	sdelay $0x1  }
0x99: {  	s4 =	simm.s32 $_scs_section_size  }
0x9a: {  	s5 =	simm.s32 $_size__tile_overlayer_lowered;
	s6 =	simm.s32 $_tile_overlayer_lowered  }
0x9b: {  	s22 =	simm.s32 $0x1BFF;
	s21 =	sshll.u32 s6, $0x1;
	s3 =	sadd.s32 s4, s19  }
0x9c: {  	s7 =	simm.s32 $0x0;
	s20 =	sshll.u32 s5, $0x1;
	s5 =	sadd.s32 s21, s3  }
0x9d: {  	[timem:s7], [sflag:s22] =	dma.local [hbm:s5], s20  }
0x9e: {  	_ =	swait.ge [sflag:s22], s20  }
0x9f: {  	s4 =	ssub.s32 $0x0, s20;
	[sflag:s22] =	ssyncset.done $0x0  }
0xa0: {  	[sflag:s22] =	ssyncadd.s32 s4;
	_ =	sdelay $0x1  }
0xa1: {  	s23 =	simm.s32 $0x1B8B  }
0xa2: {  	_ =	swait.ge [sflag:s23], $0x1  }
0xa3: {  	[sflag:s23] =	ssyncset.done $0x0  }
0xa4: {  	s25 =	simm.s32 $0x1B8E;
	s24 =	sld [smem:$0x3FFE];
	[sflag:s23] =	ssyncadd.s32 $0xFFFFFFFF  }
0xa5: {  	s26 =	simm.s32 $execute0_lowered;
	[smem:$0x3FD2] =	sst s25  }
0xa6: {  	s5 =	sshll.u32 s26, $0x1;
	_ =	strace $0x80000046;
	[dreg:$0x1] =	wrdreg $0xFFFFFFFF  }
0xa7: {  	s28 =	simm.s32 $_size_execute0_lowered;
	s3 =	sadd.s32 s3, s5;
	[dreg:$0x0] =	wrdreg $0x0  }
0xa8: {  	s5 =	sshll.u32 s28, $0x1;
	[dreg:$0x2] =	wrdreg s3  }
0xa9: {  	[dreg:$0x3] =	wrdreg s5  }
0xaa: {  	[dreg:$0x4] =	wrdreg $0xC0  }
0xab: {  	_ =	task [dreg:s7], $0x5FFFF  }
0xac: {  	[dreg:$0x1] =	wrdreg $0xFFFFFFFF  }
0xad: {  	[dreg:$0x0] =	wrdreg $0x60  }
0xae: {  	[dreg:$0x2] =	wrdreg s24  }
0xaf: {  	[dreg:$0x3] =	wrdreg s2  }
0xb0: {  	[dreg:$0x4] =	wrdreg $0x2C000  }
0xb1: {  	[dreg:$0x5] =	wrdreg $0x9  }
0xb2: {  	_ =	task.clear_ibuf [dreg:s7], $0x6FFFF;
	_ =	strace $0x90000046  }
0xb3: {  	s29 =	simm.s32 $0x9;
	_ =	strace $0x80000048  }
0xb4: {  	_ =	swait.ge [sflag:s29], $0x1  }
0xb5: {  	[sflag:s29] =	ssyncadd.s32 $0xFFFFFFFF  }
0xb6: {  	_ =	strace $0x90000048  }
0xb7: {  	_ =	sfence  }
0xb8: {  	s30 =	sld [smem:$0x0];
	_ =	sdelay $0x2  }
0xb9: {  	s31 =	sshll.u32 s1, $0xD;
	s1 =	sshrl.u32 s1, $0x2  }
0xba: {  	s3 =	sand.u32 $0x4000, s31;
	s1 =	sadd.s32 s1, s30  }
0xbb: {  	s0 =	sor.u32 s3, s0;
	s1 =	sshll.u32 s1, $0x11  }
0xbc: {  	s0 =	sor.u32 s1, s0  }
0xbd: {  	s0 =	sadd.s32 $0x8F2B, s0  }
0xbe: {  	[sflag:s0] =	ssyncadd.remote.s32 $0x1  }
0xbf: {  	_ =	sfence.sel $0xFFFF  }
0xc0: {  	[dreg:$0x0] =	wrdreg $0xFFFFFFFF;
	(pc) =	sbr.abs _section_cstart, $3  }
0xc1: {  	[dreg:$0x1] =	wrdreg $0xFFFFFFFF  }
0xc2: {  	_ =	task.clear_ibuf [dreg:s7], $0x2FFFF;
	_ =	strace $0x9FFFFFFF  }
0xc3: {  	(tm) =	ssettm $0x7FFFFFFF  }
tec
execute0_lowered:
.L_overlay_start_1:
0x0: {  	(tag) =	ssettag $0x1  }
0x1: {  	s8 =	rddreg [dreg:$0x0]  }
0x2: {  	s5 =	rddreg [dreg:$0x1]  }
0x3: {  	s0 =	srdreg.scid;
	s2 =	rddreg [dreg:$0x2];
	s3 =	simm.s32 $0x0  }
0x4: {  	s11 =	simm.s32 $0xC200;
	s12 =	simm.s32 $0x2800;
	s13 =	simm.s32 $0x800  }
0x5: {  	s14 =	simm.s32 $0xC00;
	s15 =	simm.s32 $0x1000;
	s16 =	simm.s32 $0x1400  }
0x6: {  	s17 =	simm.s32 $0x1800;
	s18 =	simm.s32 $0x1C00;
	s19 =	simm.s32 $0x2000  }
0x7: {  	s20 =	simm.s32 $0x2400;
	s22 =	simm.s32 $0x2;
	s4 =	sand.u32 $0x1, s0  }
0x8: {  	s0 =	stileid.u32;
	[smem:$0x7FF] =	sst s3;
	s1 =	sshll.u32 s4, $0x4  }
0x9: {  	s7 =	ssub.s32 $0x2, s4;
	s9 =	smul.u32 $0x280, s0;
	s21 =	sshll.u32 s0, $0x6  }
0xa: {  	p0 =	seq.s32 s4, $0x1;
	s6 =	sor.u32 s0, s1;
	s1 =	rddreg [dreg:$0x3]  }
0xb: {  	_ =	strace $0x80000047;
	s10 =	sshrl.u32 s7, $0x1;
	s11 =	simm.s32 @!p0 $0xBC00  }
0xc: {  	s6 =	smul.u32 $0x500, s6;
	s31 =	sadd.s32 s9, s2;
	s9 =	sshrl.u32 s9, $0x3  }
0xd: {  	s7 =	ssub.s32 s7, s10;
	s10 =	simm.s32 $0x1;
	s4 =	sadd.s32 s5, s9  }
0xe: {  	s5 =	sor.u32 $0x1C01, s21;
	s7 =	smax.u32 s7, $0x1;
	s21 =	sor.u32 $0x1C02, s21  }
0xf: {  	s6 =	sadd.s32 s6, s8;
	s8 =	sadd.s32 s11, s8;
	s11 =	simm.s32 $0x400  }
0x10: {  	v0 =	vimm.f32 $1.000000000e+00;
	s6 =	sadd.s32 $0x1C00, s6;
	s8 =	sadd.s32 s8, s9;
	s9 =	sshrl.u32 s31, $0x3  }
.LBB2_1:
0x11: {  	[spmem:s9], [sflag:s5] =	dma.local [hbm:s4], $0x50  }
0x12: {  	[tilespmem:s3], [sflag:$0x1] =	stream.linear.gather [hbm4b:s6+s3], $0x2800, $0x38;
	[tilespmem:$0x2E80] =	vst v63  }
0x13: {  	[tilespmem:$0x2800] =	vst v0  }
0x14: {  	[tilespmem:$0x2810] =	vst v0  }
0x15: {  	[tilespmem:$0x2820] =	vst v0  }
0x16: {  	[tilespmem:$0x2830] =	vst v0  }
0x17: {  	[tilespmem:$0x2840] =	vst v0  }
0x18: {  	[tilespmem:$0x2850] =	vst v0  }
0x19: {  	[tilespmem:$0x2860] =	vst v0  }
0x1a: {  	[tilespmem:$0x2870] =	vst v0  }
0x1b: {  	[tilespmem:$0x2880] =	vst v0  }
0x1c: {  	[tilespmem:$0x2890] =	vst v0  }
0x1d: {  	[tilespmem:$0x28A0] =	vst v0  }
0x1e: {  	[tilespmem:$0x28B0] =	vst v0  }
0x1f: {  	[tilespmem:$0x28C0] =	vst v0  }
0x20: {  	[tilespmem:$0x28D0] =	vst v0  }
0x21: {  	[tilespmem:$0x28E0] =	vst v0  }
0x22: {  	[tilespmem:$0x28F0] =	vst v0  }
0x23: {  	[tilespmem:$0x2900] =	vst v0  }
0x24: {  	[tilespmem:$0x2910] =	vst v0  }
0x25: {  	[tilespmem:$0x2920] =	vst v0  }
0x26: {  	[tilespmem:$0x2930] =	vst v0  }
0x27: {  	[tilespmem:$0x2940] =	vst v0  }
0x28: {  	[tilespmem:$0x2950] =	vst v0  }
0x29: {  	[tilespmem:$0x2960] =	vst v0  }
0x2a: {  	[tilespmem:$0x2970] =	vst v0  }
0x2b: {  	[tilespmem:$0x2980] =	vst v0  }
0x2c: {  	[tilespmem:$0x2990] =	vst v0  }
0x2d: {  	[tilespmem:$0x29A0] =	vst v0  }
0x2e: {  	[tilespmem:$0x29B0] =	vst v0  }
0x2f: {  	[tilespmem:$0x29C0] =	vst v0  }
0x30: {  	[tilespmem:$0x29D0] =	vst v0  }
0x31: {  	[tilespmem:$0x29E0] =	vst v0  }
0x32: {  	[tilespmem:$0x29F0] =	vst v0  }
0x33: {  	[tilespmem:$0x2A00] =	vst v0  }
0x34: {  	[tilespmem:$0x2A10] =	vst v0  }
0x35: {  	[tilespmem:$0x2A20] =	vst v0  }
0x36: {  	[tilespmem:$0x2A30] =	vst v0  }
0x37: {  	[tilespmem:$0x2A40] =	vst v0  }
0x38: {  	[tilespmem:$0x2A50] =	vst v0  }
0x39: {  	[tilespmem:$0x2A60] =	vst v0  }
0x3a: {  	[tilespmem:$0x2A70] =	vst v0  }
0x3b: {  	[tilespmem:$0x2A80] =	vst v0  }
0x3c: {  	[tilespmem:$0x2A90] =	vst v0  }
0x3d: {  	[tilespmem:$0x2AA0] =	vst v0  }
0x3e: {  	[tilespmem:$0x2AB0] =	vst v0  }
0x3f: {  	[tilespmem:$0x2AC0] =	vst v0  }
0x40: {  	[tilespmem:$0x2AD0] =	vst v0  }
0x41: {  	[tilespmem:$0x2AE0] =	vst v0  }
0x42: {  	[tilespmem:$0x2AF0] =	vst v0  }
0x43: {  	[tilespmem:$0x2B00] =	vst v0  }
0x44: {  	[tilespmem:$0x2B10] =	vst v0  }
0x45: {  	[tilespmem:$0x2B20] =	vst v0  }
0x46: {  	[tilespmem:$0x2B30] =	vst v0  }
0x47: {  	[tilespmem:$0x2B40] =	vst v0  }
0x48: {  	[tilespmem:$0x2B50] =	vst v0  }
0x49: {  	[tilespmem:$0x2B60] =	vst v0  }
0x4a: {  	[tilespmem:$0x2B70] =	vst v0  }
0x4b: {  	[tilespmem:$0x2B80] =	vst v0  }
0x4c: {  	[tilespmem:$0x2B90] =	vst v0  }
0x4d: {  	[tilespmem:$0x2BA0] =	vst v0  }
0x4e: {  	[tilespmem:$0x2BB0] =	vst v0  }
0x4f: {  	[tilespmem:$0x2BC0] =	vst v0  }
0x50: {  	[tilespmem:$0x2BD0] =	vst v0  }
0x51: {  	[tilespmem:$0x2BE0] =	vst v0  }
0x52: {  	[tilespmem:$0x2BF0] =	vst v0  }
0x53: {  	_ =	swait.ge [sflag:s10], $0x50  }
0x54: {  	[sflag:s10] =	ssyncset.done $0x0  }
0x55: {  	[sflag:s10] =	ssyncadd.s32 $0xFFFFFFB0  }
0x56: {  	_ =	swait.ge [sflag:s10], $0x2800  }
0x57: {  	[sflag:s10] =	ssyncset.done $0x0  }
0x58: {  	[sflag:s10] =	ssyncadd.s32 $0xFFFFD800  }
0x59: {  	[bflag:$0x0] =	sbarrier.arrive $0xFFFF  }
0x5a: {  	[spmem:s2] =	stream.indirect.scatter.add.f32 [tilespmem:s12], [sflag:$0x1], $0x1, s3, s11, $0xb8;
	[tilespmem:$0x2E80] =	vst v63  }
0x5b: {  	_ = 	snop  }
0x5c: {  	[spmem:s2] =	stream.indirect.scatter.add.f32 [tilespmem:s12], [sflag:$0x1], $0x1, s11, s11, $0xb8;
	[tilespmem:$0x2E80] =	vst v63  }
0x5d: {  	_ = 	snop  }
0x5e: {  	[spmem:s2] =	stream.indirect.scatter.add.f32 [tilespmem:s12], [sflag:$0x1], $0x1, s13, s11, $0xb8;
	[tilespmem:$0x2E80] =	vst v63  }
0x5f: {  	_ = 	snop  }
0x60: {  	[spmem:s2] =	stream.indirect.scatter.add.f32 [tilespmem:s12], [sflag:$0x1], $0x1, s14, s11, $0xb8;
	[tilespmem:$0x2E80] =	vst v63  }
0x61: {  	_ = 	snop  }
0x62: {  	[spmem:s2] =	stream.indirect.scatter.add.f32 [tilespmem:s12], [sflag:$0x1], $0x1, s15, s11, $0xb8;
	[tilespmem:$0x2E80] =	vst v63  }
0x63: {  	_ = 	snop  }
0x64: {  	[spmem:s2] =	stream.indirect.scatter.add.f32 [tilespmem:s12], [sflag:$0x1], $0x1, s16, s11, $0xb8;
	[tilespmem:$0x2E80] =	vst v63  }
0x65: {  	_ = 	snop  }
0x66: {  	[spmem:s2] =	stream.indirect.scatter.add.f32 [tilespmem:s12], [sflag:$0x1], $0x1, s17, s11, $0xb8;
	[tilespmem:$0x2E80] =	vst v63  }
0x67: {  	_ = 	snop  }
0x68: {  	[spmem:s2] =	stream.indirect.scatter.add.f32 [tilespmem:s12], [sflag:$0x1], $0x1, s18, s11, $0xb8;
	[tilespmem:$0x2E80] =	vst v63  }
0x69: {  	_ = 	snop  }
0x6a: {  	[spmem:s2] =	stream.indirect.scatter.add.f32 [tilespmem:s12], [sflag:$0x1], $0x1, s19, s11, $0xb8;
	[tilespmem:$0x2E80] =	vst v63  }
0x6b: {  	_ = 	snop  }
0x6c: {  	[spmem:s2] =	stream.indirect.scatter.add.f32 [tilespmem:s12], [sflag:$0x1], $0x1, s20, s11, $0xb8;
	[tilespmem:$0x2E80] =	vst v63  }
0x6d: {  	_ =	swait.ge [sflag:s10], $0x400  }
0x6e: {  	[sflag:s10] =	ssyncset.done $0x0  }
0x6f: {  	[sflag:s10] =	ssyncadd.s32 $0xFFFFFC00  }
0x70: {  	_ =	swait.ge [sflag:s10], $0x400  }
0x71: {  	[sflag:s10] =	ssyncset.done $0x0  }
0x72: {  	[sflag:s10] =	ssyncadd.s32 $0xFFFFFC00  }
0x73: {  	_ =	swait.ge [sflag:s10], $0x400  }
0x74: {  	[sflag:s10] =	ssyncset.done $0x0  }
0x75: {  	[sflag:s10] =	ssyncadd.s32 $0xFFFFFC00  }
0x76: {  	_ =	swait.ge [sflag:s10], $0x400  }
0x77: {  	[sflag:s10] =	ssyncset.done $0x0  }
0x78: {  	[sflag:s10] =	ssyncadd.s32 $0xFFFFFC00  }
0x79: {  	_ =	swait.ge [sflag:s10], $0x400  }
0x7a: {  	[sflag:s10] =	ssyncset.done $0x0  }
0x7b: {  	[sflag:s10] =	ssyncadd.s32 $0xFFFFFC00  }
0x7c: {  	_ =	swait.ge [sflag:s10], $0x400  }
0x7d: {  	[sflag:s10] =	ssyncset.done $0x0  }
0x7e: {  	[sflag:s10] =	ssyncadd.s32 $0xFFFFFC00  }
0x7f: {  	_ =	swait.ge [sflag:s10], $0x400  }
0x80: {  	[sflag:s10] =	ssyncset.done $0x0  }
0x81: {  	[sflag:s10] =	ssyncadd.s32 $0xFFFFFC00  }
0x82: {  	_ =	swait.ge [sflag:s10], $0x400  }
0x83: {  	[sflag:s10] =	ssyncset.done $0x0  }
0x84: {  	[sflag:s10] =	ssyncadd.s32 $0xFFFFFC00  }
0x85: {  	_ =	swait.ge [sflag:s10], $0x400  }
0x86: {  	[sflag:s10] =	ssyncset.done $0x0  }
0x87: {  	[sflag:s10] =	ssyncadd.s32 $0xFFFFFC00  }
0x88: {  	_ =	swait.ge [sflag:s10], $0x400  }
0x89: {  	[sflag:s10] =	ssyncset.done $0x0  }
0x8a: {  	p0 =	sne.s32 s7, $0x1;
	[sflag:s10] =	ssyncadd.s32 $0xFFFFFC00  }
.Ltmp0:
0x8b: {  	[bflag:$0x0] =	sbarrier.arrive $0xFFFF;
	(pc) =	sbr.rel @p0 .LBB2_1-.Ltmp0, $4  }
0x8c: {  	[hbm:s8], [sflag:s21] =	dma.local [spmem:s9], $0x50  }
0x8d: {  	_ =	swait.ge [sflag:s22], $0x50  }
0x8e: {  	[sflag:s22] =	ssyncset.done $0x0  }
0x8f: {  	s7 =	sadd.s32 $0xFFFFFFFF, s7;
	[sflag:s22] =	ssyncadd.s32 $0xFFFFFFB0  }
0x90: {  	_ =	sfence.sel $0x180000  }
0x91: {  	[bflag:$0x0] =	sbarrier.arrive $0xFFFF  }
0x92: {  	p0 =	sne.s32 s0, $0x0;
	_ =	strace $0x90000047  }
0x93: {  	s0 =	sadd.s32 @!p0 $0x100000, s1;
	[bflag:$0x2] =	sbarrier.arrive $0xFFFF  }
0x94: {  	[sflag:s0] =	ssyncadd.tile.s32 @!p0 $0x1;
	_ =	shalt  }
.Lfunc_end2:
_tile_overlayer_lowered:
.L_overlay_start_2:
0x95: {  	(tag) =	ssettag $0x2  }
0x96: {  	s0 =	rddreg [dreg:$0x0];
	s2 =	stileid.u32  }
0x97: {  	s1 =	rddreg [dreg:$0x1];
	p0 =	sne.s32 s2, $0x0  }
0x98: {  	s3 =	rddreg [dreg:$0x2];
	[bflag:$0x3] =	sbarrier.arrive $0xFFFF;
	s2 =	simm.s32 @!p0 $0x1C02  }
0x99: {  	[timem:s3], [sflag:s2] =	dma.local @!p0 [hbm:s0], s1  }
0x9a: {  	s0 =	simm.s32 @!p0 $0x2  }
0x9b: {  	_ =	swait.ge @!p0 [sflag:s0], s1  }
0x9c: {  	s1 =	ssub.s32 @!p0 $0x0, s1;
	[sflag:s0] =	ssyncset.done @!p0 $0x0  }
0x9d: {  	[sflag:s0] =	ssyncadd.s32 @!p0 s1  }
0x9e: {  	[bflag:$0x3] =	sbarrier.arrive $0xFFFF  }
0x9f: {  	_ =	shalt  }

</sc_bundles>
